<compile_context>
chip_gen: v7x
topology: tpu7x:2x2x1
jax: 0.10.2.dev20260603
libtpu: 0.0.44.dev20260713+nightly
codegen_flags: <defaults>
</compile_context>

<pallas_src>
import jax
import jax.numpy as jnp
from jax import lax
from jax.experimental import pallas as pl
from jax.experimental.pallas import tpu as pltpu
from jax.experimental.pallas import tpu_sc as plsc

N_CODEBOOKS = 8
VOCAB = 2048
DIM = 512
B = 8
T = 2048

_INFO = plsc.get_sparse_core_info()
_NC, _NS, _L = _INFO.num_cores, _INFO.num_subcores, _INFO.num_lanes
_NW = _NC * _NS
_ROWS = B * N_CODEBOOKS * T
_RW = _ROWS // _NW
_PAIRS_PER_W = (B * N_CODEBOOKS) // _NW
_CHUNK = 32
_NCHUNK = _RW // _CHUNK
_NBUF = 6
_GF = 3
_OF = 3
_MAIN = (_NCHUNK // _NBUF) * _NBUF


def _sc_body(x_hbm, tab_hbm, out_hbm, idx_v, b0, b1, b2, b3, b4, b5,
             gsem, osem):
    wid = lax.axis_index("s") * _NC + lax.axis_index("c")
    bufs = (b0, b1, b2, b3, b4, b5)
    base = wid * _RW

    pltpu.sync_copy(x_hbm.at[pl.ds(base, _RW)], idx_v)

    _CPP = T // _CHUNK

    def _gather(c, buf):
        k = lax.rem(wid * _PAIRS_PER_W + c // _CPP, N_CODEBOOKS)
        koff = pl.multiple_of(k * VOCAB, VOCAB)
        pltpu.async_copy(
            tab_hbm.at[pl.ds(koff, VOCAB)].at[
                idx_v.at[pl.ds(c * _CHUNK, _CHUNK)]],
            buf, gsem)

    def _wait_gather(buf):
        pltpu.make_async_copy(
            tab_hbm.at[idx_v.at[pl.ds(0, _CHUNK)]], buf, gsem).wait()

    def _out(c, buf):
        pltpu.async_copy(buf, out_hbm.at[pl.ds(base + c * _CHUNK, _CHUNK)],
                         osem)

    def _wait_out(buf):
        pltpu.make_async_copy(
            buf, out_hbm.at[pl.ds(base, _CHUNK)], osem).wait()

    for c in range(_GF):
        _gather(c, bufs[c])

    def _step(c, p, g_pred, o_pred):
        _wait_gather(bufs[p])

        if o_pred:
            @pl.when(c >= _OF)
            def _():
                _wait_out(bufs[(p - _OF) % _NBUF])
        elif c >= _OF:
            _wait_out(bufs[(p - _OF) % _NBUF])

        if g_pred:
            @pl.when(c + _GF < _NCHUNK)
            def _():
                _gather(c + _GF, bufs[(p - _OF) % _NBUF])
        elif c + _GF < _NCHUNK:
            _gather(c + _GF, bufs[(p - _OF) % _NBUF])

        _out(c, bufs[p])

    def _chunks(cn, _):
        for p in range(_NBUF):
            c = cn * _NBUF + p
            _step(c, p, True, True)
        return 0

    lax.fori_loop(0, _MAIN // _NBUF, _chunks, 0)

    for c in range(_MAIN, _NCHUNK):
        _step(c, c % _NBUF, False, False)

    for c in range(_NCHUNK - _OF, _NCHUNK):
        _wait_out(bufs[c % _NBUF])


@jax.jit
def _embed(x_flat, tab_flat):
    mesh = plsc.VectorSubcoreMesh(core_axis_name="c", subcore_axis_name="s")
    return pl.kernel(
        _sc_body,
        out_type=jax.ShapeDtypeStruct((_ROWS, DIM), jnp.float32),
        mesh=mesh,
        scratch_types=[
            pltpu.VMEM((_RW,), jnp.int32),
            pltpu.VMEM((_CHUNK, DIM), jnp.float32),
            pltpu.VMEM((_CHUNK, DIM), jnp.float32),
            pltpu.VMEM((_CHUNK, DIM), jnp.float32),
            pltpu.VMEM((_CHUNK, DIM), jnp.float32),
            pltpu.VMEM((_CHUNK, DIM), jnp.float32),
            pltpu.VMEM((_CHUNK, DIM), jnp.float32),
            pltpu.SemaphoreType.DMA,
            pltpu.SemaphoreType.DMA,
        ],
    )(x_flat, tab_flat)


def kernel(x, tables):
    x_flat = x.reshape(_ROWS)
    tab_flat = tables.reshape(N_CODEBOOKS * VOCAB, DIM)
    out = _embed(x_flat, tab_flat)
    return out.reshape(B, N_CODEBOOKS, T, DIM)

# --- scband reference (transcript-rebuilt; emitter-appended) ---
"""Pipeline reference for scband-audio-embedding-28338194219119 (READ-ONLY COPY).

The authoritative reference and input builder live on the scoring server;
editing this copy changes nothing except your own understanding.
"""

import jax, jax.numpy as jnp
import numpy as np

N_CODEBOOKS = 8
VOCAB = 2048  # vocab_size + n_special
DIM = 512
B = 8
T = 2048


def setup_inputs(seed: int = 0) -> dict:
    key = jax.random.key(seed)
    k1, k2 = jax.random.split(key)
    x = jax.random.randint(k1, (B, N_CODEBOOKS, T), 0, VOCAB, dtype=jnp.int32)
    # Learned parameters: one embedding table per codebook, stacked [K, V, D]
    tables = jax.random.normal(k2, (N_CODEBOOKS, VOCAB, DIM), dtype=jnp.float32) * 0.02
    return {"x": x, "tables": tables}


def reference(x, tables):
    # AudioEmbedding.forward with x.ndim == 3 ([B, K, T]), dropout p=0 (identity in eval).
    # For each codebook k: emb_k = word_embeddings_k(x[:, k, :]) -> [B, T, D]
    outs = [jnp.take(tables[k], x[:, k, :], axis=0) for k in range(N_CODEBOOKS)]
    # stack over codebook dim -> [B, K, T, D]
    return jnp.stack(outs, axis=1)

if __name__ == "__main__":
    import jax
    _d = setup_inputs()
    print(jax.jit(kernel)(*tuple(_d.values())))

</pallas_src>

<mosaic_0001>
#map = affine_map<(d0, d1) -> (0)>
#map1 = affine_map<(d0, d1) -> (0, 0)>
module attributes {stable_mosaic.version = 14 : i64} {
  func.func @_sc_body(%arg0: i32, %arg1: i32, %arg2: memref<131072xi32, #tpu.memory_space<hbm>>, %arg3: memref<16384x512xf32, #tpu.memory_space<hbm>>, %arg4: memref<131072x512xf32, #tpu.memory_space<hbm>>, %arg5: memref<4096xi32, #tpu.memory_space<vmem>>, %arg6: memref<32x512xf32, #tpu.memory_space<vmem>>, %arg7: memref<32x512xf32, #tpu.memory_space<vmem>>, %arg8: memref<32x512xf32, #tpu.memory_space<vmem>>, %arg9: memref<32x512xf32, #tpu.memory_space<vmem>>, %arg10: memref<32x512xf32, #tpu.memory_space<vmem>>, %arg11: memref<32x512xf32, #tpu.memory_space<vmem>>, %arg12: memref<!tpu.dma_semaphore, #tpu.memory_space<semaphore_mem>>, %arg13: memref<!tpu.dma_semaphore, #tpu.memory_space<semaphore_mem>>) attributes {dimension_semantics = [#tpu.dimension_semantics<core_parallel>, #tpu.dimension_semantics<subcore_parallel>], iteration_bounds = array<i64: 2, 16>, scalar_prefetch = 0 : i64, scratch_operands = 9 : i64, tpu.core_type = #tpu.core_type<sc_vector_subcore>, window_params = [{transform_indices = #map}, {transform_indices = #map1}, {transform_indices = #map1}]} {
    %mul3A = arith.constant 2 : i32
    %mul3A_0 = arith.muli %arg1, %mul3A : i32
    %add3A = arith.addi %mul3A_0, %arg0 : i32
    %mul3A_1 = arith.constant 4096 : i32
    %mul3A_2 = arith.muli %add3A, %mul3A_1 : i32
    "tpu.region"() ({
      %run_scoped3A = tpu.sem_alloc : memref<!tpu.dma_semaphore, #tpu.memory_space<semaphore_mem>>
      %dma_start3A_95 = tpu.memref_slice %arg2[%mul3A_2] : memref<131072xi32, #tpu.memory_space<hbm>> -> memref<4096xi32, #tpu.memory_space<hbm>>
      %dma_start3A_96 = tpu.memref_slice %arg2[%mul3A_2] : memref<131072xi32, #tpu.memory_space<hbm>> -> memref<4096xi32, #tpu.memory_space<hbm>>
      tpu.enqueue_dma source(%dma_start3A_96 : memref<4096xi32, #tpu.memory_space<hbm>>) target(%arg5 : memref<4096xi32, #tpu.memory_space<vmem>>) target_semaphore(%run_scoped3A : memref<!tpu.dma_semaphore, #tpu.memory_space<semaphore_mem>>)
      %dma_wait3A_97 = tpu.memref_slice %arg2[%mul3A_2] : memref<131072xi32, #tpu.memory_space<hbm>> -> memref<4096xi32, #tpu.memory_space<hbm>>
      %dma_wait3A_98 = tpu.memref_slice %arg2[%mul3A_2] : memref<131072xi32, #tpu.memory_space<hbm>> -> memref<4096xi32, #tpu.memory_space<hbm>>
      tpu.wait_dma2 semaphore(%run_scoped3A : memref<!tpu.dma_semaphore, #tpu.memory_space<semaphore_mem>>) src(%dma_wait3A_98 : memref<4096xi32, #tpu.memory_space<hbm>>) dst(%arg5 : memref<4096xi32, #tpu.memory_space<vmem>>)
      tpu.yield
    }) : () -> ()
    %mul3A_3 = arith.constant 2 : i32
    %mul3A_4 = arith.muli %add3A, %mul3A_3 : i32
    %add3A_5 = arith.constant 0 : i32
    %add3A_6 = arith.addi %mul3A_4, %add3A_5 : i32
    %rem3A = arith.constant 8 : i32
    %rem3A_7 = arith.remsi %add3A_6, %rem3A : i32
    %mul3A_8 = arith.constant 2048 : i32
    %mul3A_9 = arith.muli %rem3A_7, %mul3A_8 : i32
    %multiple_of3A = tpu.assume_multiple %mul3A_9, 2048 : i32
    %dma_start3A = arith.constant 0 : i32
    %dma_start3A_10 = tpu.memref_slice %arg5[%dma_start3A] : memref<4096xi32, #tpu.memory_space<vmem>> -> memref<32xi32, #tpu.memory_space<vmem>>
    %dma_start3A_11 = arith.constant 0 : i32
    %dma_start3A_12 = tpu.memref_slice %arg3[%multiple_of3A, %dma_start3A_11] : memref<16384x512xf32, #tpu.memory_space<hbm>> -> memref<2048x512xf32, #tpu.memory_space<hbm>>
    %dma_start3A_13 = arith.constant 0 : i32
    %dma_start3A_14 = arith.constant 0 : i32
    %dma_start3A_15 = tpu.memref_slice %dma_start3A_12[%dma_start3A_13, %dma_start3A_14] : memref<2048x512xf32, #tpu.memory_space<hbm>> -> memref<2048x512xf32, #tpu.memory_space<hbm>>
    tpu.enqueue_indirect_dma source(%dma_start3A_15 : memref<2048x512xf32, #tpu.memory_space<hbm>>) target(%arg6 : memref<32x512xf32, #tpu.memory_space<vmem>>) offsets(%dma_start3A_10 : memref<32xi32, #tpu.memory_space<vmem>>) semaphore(%arg12 : memref<!tpu.dma_semaphore, #tpu.memory_space<semaphore_mem>>)
    %mul3A_16 = arith.constant 2 : i32
    %mul3A_17 = arith.muli %add3A, %mul3A_16 : i32
    %add3A_18 = arith.constant 0 : i32
    %add3A_19 = arith.addi %mul3A_17, %add3A_18 : i32
    %rem3A_20 = arith.constant 8 : i32
    %rem3A_21 = arith.remsi %add3A_19, %rem3A_20 : i32
    %mul3A_22 = arith.constant 2048 : i32
    %mul3A_23 = arith.muli %rem3A_21, %mul3A_22 : i32
    %multiple_of3A_24 = tpu.assume_multiple %mul3A_23, 2048 : i32
    %dma_start3A_25 = arith.constant 32 : i32
    %dma_start3A_26 = tpu.memref_slice %arg5[%dma_start3A_25] : memref<4096xi32, #tpu.memory_space<vmem>> -> memref<32xi32, #tpu.memory_space<vmem>>
    %dma_start3A_27 = arith.constant 0 : i32
    %dma_start3A_28 = tpu.memref_slice %arg3[%multiple_of3A_24, %dma_start3A_27] : memref<16384x512xf32, #tpu.memory_space<hbm>> -> memref<2048x512xf32, #tpu.memory_space<hbm>>
    %dma_start3A_29 = arith.constant 0 : i32
    %dma_start3A_30 = arith.constant 0 : i32
    %dma_start3A_31 = tpu.memref_slice %dma_start3A_28[%dma_start3A_29, %dma_start3A_30] : memref<2048x512xf32, #tpu.memory_space<hbm>> -> memref<2048x512xf32, #tpu.memory_space<hbm>>
    tpu.enqueue_indirect_dma source(%dma_start3A_31 : memref<2048x512xf32, #tpu.memory_space<hbm>>) target(%arg7 : memref<32x512xf32, #tpu.memory_space<vmem>>) offsets(%dma_start3A_26 : memref<32xi32, #tpu.memory_space<vmem>>) semaphore(%arg12 : memref<!tpu.dma_semaphore, #tpu.memory_space<semaphore_mem>>)
    %mul3A_32 = arith.constant 2 : i32
    %mul3A_33 = arith.muli %add3A, %mul3A_32 : i32
    %add3A_34 = arith.constant 0 : i32
    %add3A_35 = arith.addi %mul3A_33, %add3A_34 : i32
    %rem3A_36 = arith.constant 8 : i32
    %rem3A_37 = arith.remsi %add3A_35, %rem3A_36 : i32
    %mul3A_38 = arith.constant 2048 : i32
    %mul3A_39 = arith.muli %rem3A_37, %mul3A_38 : i32
    %multiple_of3A_40 = tpu.assume_multiple %mul3A_39, 2048 : i32
    %dma_start3A_41 = arith.constant 64 : i32
    %dma_start3A_42 = tpu.memref_slice %arg5[%dma_start3A_41] : memref<4096xi32, #tpu.memory_space<vmem>> -> memref<32xi32, #tpu.memory_space<vmem>>
    %dma_start3A_43 = arith.constant 0 : i32
    %dma_start3A_44 = tpu.memref_slice %arg3[%multiple_of3A_40, %dma_start3A_43] : memref<16384x512xf32, #tpu.memory_space<hbm>> -> memref<2048x512xf32, #tpu.memory_space<hbm>>
    %dma_start3A_45 = arith.constant 0 : i32
    %dma_start3A_46 = arith.constant 0 : i32
    %dma_start3A_47 = tpu.memref_slice %dma_start3A_44[%dma_start3A_45, %dma_start3A_46] : memref<2048x512xf32, #tpu.memory_space<hbm>> -> memref<2048x512xf32, #tpu.memory_space<hbm>>
    tpu.enqueue_indirect_dma source(%dma_start3A_47 : memref<2048x512xf32, #tpu.memory_space<hbm>>) target(%arg8 : memref<32x512xf32, #tpu.memory_space<vmem>>) offsets(%dma_start3A_42 : memref<32xi32, #tpu.memory_space<vmem>>) semaphore(%arg12 : memref<!tpu.dma_semaphore, #tpu.memory_space<semaphore_mem>>)
    %scan3A = arith.constant 0 : i32
    %scan3A_48 = arith.constant 0 : i32
    %scan3A_49 = arith.constant 21 : i32
    %scan3A_50 = arith.addi %scan3A_48, %scan3A_49 : i32
    %scan3A_51 = arith.constant 1 : i32
    %scan3A_52 = scf.for %scan3A_95 = %scan3A_48 to %scan3A_50 step %scan3A_51 iter_args(%scan3A_96 = %scan3A) -> (i32)  : i32 {
      %mul3A_97 = arith.constant 6 : i32
      %mul3A_98 = arith.muli %scan3A_95, %mul3A_97 : i32
      %add3A_99 = arith.constant 0 : i32
      %add3A_100 = arith.addi %mul3A_98, %add3A_99 : i32
      %dma_wait3A_101 = arith.constant 0 : i32
      %dma_wait3A_102 = tpu.memref_slice %arg5[%dma_wait3A_101] : memref<4096xi32, #tpu.memory_space<vmem>> -> memref<32xi32, #tpu.memory_space<vmem>>
      %dma_wait3A_103 = arith.constant 0 : i32
      %dma_wait3A_104 = arith.constant 0 : i32
      %dma_wait3A_105 = tpu.memref_slice %arg3[%dma_wait3A_103, %dma_wait3A_104] : memref<16384x512xf32, #tpu.memory_space<hbm>> -> memref<16384x512xf32, #tpu.memory_space<hbm>>
      tpu.wait_indirect_dma semaphore(%arg12 : memref<!tpu.dma_semaphore, #tpu.memory_space<semaphore_mem>>) src(%dma_wait3A_105 : memref<16384x512xf32, #tpu.memory_space<hbm>>) dst(%arg6 : memref<32x512xf32, #tpu.memory_space<vmem>>)
      %ge3A = arith.constant 3 : i32
      %ge3A_106 = arith.cmpi sge, %add3A_100, %ge3A : i32
      %convert_element_type3A = arith.extui %ge3A_106 : i1 to i32
      %cond3A = arith.constant 0 : i32
      %cond3A_107 = arith.cmpi ne, %convert_element_type3A, %cond3A : i32
      scf.if %cond3A_107 {
        %dma_wait3A_262 = arith.constant 0 : i32
        %dma_wait3A_263 = tpu.memref_slice %arg4[%mul3A_2, %dma_wait3A_262] : memref<131072x512xf32, #tpu.memory_space<hbm>> -> memref<32x512xf32, #tpu.memory_space<hbm>>
        %dma_wait3A_264 = arith.constant 0 : i32
        %dma_wait3A_265 = tpu.memref_slice %arg4[%mul3A_2, %dma_wait3A_264] : memref<131072x512xf32, #tpu.memory_space<hbm>> -> memref<32x512xf32, #tpu.memory_space<hbm>>
        tpu.wait_dma2 semaphore(%arg13 : memref<!tpu.dma_semaphore, #tpu.memory_space<semaphore_mem>>) src(%arg9 : memref<32x512xf32, #tpu.memory_space<vmem>>) dst(%dma_wait3A_265 : memref<32x512xf32, #tpu.memory_space<hbm>>)
      } else {
      }
      %add3A_108 = arith.constant 3 : i32
      %add3A_109 = arith.addi %add3A_100, %add3A_108 : i32
      %lt3A = arith.constant 128 : i32
      %lt3A_110 = arith.cmpi slt, %add3A_109, %lt3A : i32
      %convert_element_type3A_111 = arith.extui %lt3A_110 : i1 to i32
      %cond3A_112 = arith.constant 0 : i32
      %cond3A_113 = arith.cmpi ne, %convert_element_type3A_111, %cond3A_112 : i32
      scf.if %cond3A_113 {
        %add3A_262 = arith.constant 3 : i32
        %add3A_263 = arith.addi %add3A_100, %add3A_262 : i32
        %mul3A_264 = arith.constant 2 : i32
        %mul3A_265 = arith.muli %add3A, %mul3A_264 : i32
        %jit3A = arith.constant 64 : i32
        %div3A = arith.divsi %add3A_263, %jit3A : i32
        %sign3A = arith.constant 0 : i32
        %sign3A_266 = arith.cmpi sgt, %add3A_263, %sign3A : i32
        %sign3A_267 = arith.extui %sign3A_266 : i1 to i32
        %sign3A_268 = arith.constant 0 : i32
        %sign3A_269 = arith.cmpi slt, %add3A_263, %sign3A_268 : i32
        %sign3A_270 = arith.extui %sign3A_269 : i1 to i32
        %sign3A_271 = arith.subi %sign3A_267, %sign3A_270 : i32
        %sign3A_272 = arith.constant 0 : i32
        %sign3A_273 = arith.cmpi sgt, %jit3A, %sign3A_272 : i32
        %sign3A_274 = arith.extui %sign3A_273 : i1 to i32
        %sign3A_275 = arith.constant 0 : i32
        %sign3A_276 = arith.cmpi slt, %jit3A, %sign3A_275 : i32
        %sign3A_277 = arith.extui %sign3A_276 : i1 to i32
        %sign3A_278 = arith.subi %sign3A_274, %sign3A_277 : i32
        %ne3A = arith.cmpi ne, %sign3A_271, %sign3A_278 : i32
        %rem3A_279 = arith.remsi %add3A_263, %jit3A : i32
        %ne3A_280 = arith.constant 0 : i32
        %ne3A_281 = arith.cmpi ne, %rem3A_279, %ne3A_280 : i32
        %and3A = arith.andi %ne3A, %ne3A_281 : i1
        %sub3A = arith.constant 1 : i32
        %sub3A_282 = arith.subi %div3A, %sub3A : i32
        %select_n3A = arith.select %and3A, %sub3A_282, %div3A : i32
        %add3A_283 = arith.addi %mul3A_265, %select_n3A : i32
        %rem3A_284 = arith.constant 8 : i32
        %rem3A_285 = arith.remsi %add3A_283, %rem3A_284 : i32
        %mul3A_286 = arith.constant 2048 : i32
        %mul3A_287 = arith.muli %rem3A_285, %mul3A_286 : i32
        %multiple_of3A_288 = tpu.assume_multiple %mul3A_287, 2048 : i32
        %mul3A_289 = arith.constant 32 : i32
        %mul3A_290 = arith.muli %add3A_263, %mul3A_289 : i32
        %dma_start3A_291 = tpu.memref_slice %arg5[%mul3A_290] : memref<4096xi32, #tpu.memory_space<vmem>> -> memref<32xi32, #tpu.memory_space<vmem>>
        %dma_start3A_292 = arith.constant 0 : i32
        %dma_start3A_293 = tpu.memref_slice %arg3[%multiple_of3A_288, %dma_start3A_292] : memref<16384x512xf32, #tpu.memory_space<hbm>> -> memref<2048x512xf32, #tpu.memory_space<hbm>>
        %dma_start3A_294 = arith.constant 0 : i32
        %dma_start3A_295 = arith.constant 0 : i32
        %dma_start3A_296 = tpu.memref_slice %dma_start3A_293[%dma_start3A_294, %dma_start3A_295] : memref<2048x512xf32, #tpu.memory_space<hbm>> -> memref<2048x512xf32, #tpu.memory_space<hbm>>
        tpu.enqueue_indirect_dma source(%dma_start3A_296 : memref<2048x512xf32, #tpu.memory_space<hbm>>) target(%arg9 : memref<32x512xf32, #tpu.memory_space<vmem>>) offsets(%dma_start3A_291 : memref<32xi32, #tpu.memory_space<vmem>>) semaphore(%arg12 : memref<!tpu.dma_semaphore, #tpu.memory_space<semaphore_mem>>)
      } else {
      }
      %mul3A_114 = arith.constant 32 : i32
      %mul3A_115 = arith.muli %add3A_100, %mul3A_114 : i32
      %add3A_116 = arith.addi %mul3A_2, %mul3A_115 : i32
      %dma_start3A_117 = arith.constant 0 : i32
      %dma_start3A_118 = tpu.memref_slice %arg4[%add3A_116, %dma_start3A_117] : memref<131072x512xf32, #tpu.memory_space<hbm>> -> memref<32x512xf32, #tpu.memory_space<hbm>>
      %dma_start3A_119 = arith.constant 0 : i32
      %dma_start3A_120 = tpu.memref_slice %arg4[%add3A_116, %dma_start3A_119] : memref<131072x512xf32, #tpu.memory_space<hbm>> -> memref<32x512xf32, #tpu.memory_space<hbm>>
      tpu.enqueue_dma source(%arg6 : memref<32x512xf32, #tpu.memory_space<vmem>>) target(%dma_start3A_120 : memref<32x512xf32, #tpu.memory_space<hbm>>) target_semaphore(%arg13 : memref<!tpu.dma_semaphore, #tpu.memory_space<semaphore_mem>>)
      %mul3A_121 = arith.constant 6 : i32
      %mul3A_122 = arith.muli %scan3A_95, %mul3A_121 : i32
      %add3A_123 = arith.constant 1 : i32
      %add3A_124 = arith.addi %mul3A_122, %add3A_123 : i32
      %dma_wait3A_125 = arith.constant 0 : i32
      %dma_wait3A_126 = tpu.memref_slice %arg5[%dma_wait3A_125] : memref<4096xi32, #tpu.memory_space<vmem>> -> memref<32xi32, #tpu.memory_space<vmem>>
      %dma_wait3A_127 = arith.constant 0 : i32
      %dma_wait3A_128 = arith.constant 0 : i32
      %dma_wait3A_129 = tpu.memref_slice %arg3[%dma_wait3A_127, %dma_wait3A_128] : memref<16384x512xf32, #tpu.memory_space<hbm>> -> memref<16384x512xf32, #tpu.memory_space<hbm>>
      tpu.wait_indirect_dma semaphore(%arg12 : memref<!tpu.dma_semaphore, #tpu.memory_space<semaphore_mem>>) src(%dma_wait3A_129 : memref<16384x512xf32, #tpu.memory_space<hbm>>) dst(%arg7 : memref<32x512xf32, #tpu.memory_space<vmem>>)
      %ge3A_130 = arith.constant 3 : i32
      %ge3A_131 = arith.cmpi sge, %add3A_124, %ge3A_130 : i32
      %convert_element_type3A_132 = arith.extui %ge3A_131 : i1 to i32
      %cond3A_133 = arith.constant 0 : i32
      %cond3A_134 = arith.cmpi ne, %convert_element_type3A_132, %cond3A_133 : i32
      scf.if %cond3A_134 {
        %dma_wait3A_262 = arith.constant 0 : i32
        %dma_wait3A_263 = tpu.memref_slice %arg4[%mul3A_2, %dma_wait3A_262] : memref<131072x512xf32, #tpu.memory_space<hbm>> -> memref<32x512xf32, #tpu.memory_space<hbm>>
        %dma_wait3A_264 = arith.constant 0 : i32
        %dma_wait3A_265 = tpu.memref_slice %arg4[%mul3A_2, %dma_wait3A_264] : memref<131072x512xf32, #tpu.memory_space<hbm>> -> memref<32x512xf32, #tpu.memory_space<hbm>>
        tpu.wait_dma2 semaphore(%arg13 : memref<!tpu.dma_semaphore, #tpu.memory_space<semaphore_mem>>) src(%arg10 : memref<32x512xf32, #tpu.memory_space<vmem>>) dst(%dma_wait3A_265 : memref<32x512xf32, #tpu.memory_space<hbm>>)
      } else {
      }
      %add3A_135 = arith.constant 3 : i32
      %add3A_136 = arith.addi %add3A_124, %add3A_135 : i32
      %lt3A_137 = arith.constant 128 : i32
      %lt3A_138 = arith.cmpi slt, %add3A_136, %lt3A_137 : i32
      %convert_element_type3A_139 = arith.extui %lt3A_138 : i1 to i32
      %cond3A_140 = arith.constant 0 : i32
      %cond3A_141 = arith.cmpi ne, %convert_element_type3A_139, %cond3A_140 : i32
      scf.if %cond3A_141 {
        %add3A_262 = arith.constant 3 : i32
        %add3A_263 = arith.addi %add3A_124, %add3A_262 : i32
        %mul3A_264 = arith.constant 2 : i32
        %mul3A_265 = arith.muli %add3A, %mul3A_264 : i32
        %jit3A = arith.constant 64 : i32
        %div3A = arith.divsi %add3A_263, %jit3A : i32
        %sign3A = arith.constant 0 : i32
        %sign3A_266 = arith.cmpi sgt, %add3A_263, %sign3A : i32
        %sign3A_267 = arith.extui %sign3A_266 : i1 to i32
        %sign3A_268 = arith.constant 0 : i32
        %sign3A_269 = arith.cmpi slt, %add3A_263, %sign3A_268 : i32
        %sign3A_270 = arith.extui %sign3A_269 : i1 to i32
        %sign3A_271 = arith.subi %sign3A_267, %sign3A_270 : i32
        %sign3A_272 = arith.constant 0 : i32
        %sign3A_273 = arith.cmpi sgt, %jit3A, %sign3A_272 : i32
        %sign3A_274 = arith.extui %sign3A_273 : i1 to i32
        %sign3A_275 = arith.constant 0 : i32
        %sign3A_276 = arith.cmpi slt, %jit3A, %sign3A_275 : i32
        %sign3A_277 = arith.extui %sign3A_276 : i1 to i32
        %sign3A_278 = arith.subi %sign3A_274, %sign3A_277 : i32
        %ne3A = arith.cmpi ne, %sign3A_271, %sign3A_278 : i32
        %rem3A_279 = arith.remsi %add3A_263, %jit3A : i32
        %ne3A_280 = arith.constant 0 : i32
        %ne3A_281 = arith.cmpi ne, %rem3A_279, %ne3A_280 : i32
        %and3A = arith.andi %ne3A, %ne3A_281 : i1
        %sub3A = arith.constant 1 : i32
        %sub3A_282 = arith.subi %div3A, %sub3A : i32
        %select_n3A = arith.select %and3A, %sub3A_282, %div3A : i32
        %add3A_283 = arith.addi %mul3A_265, %select_n3A : i32
        %rem3A_284 = arith.constant 8 : i32
        %rem3A_285 = arith.remsi %add3A_283, %rem3A_284 : i32
        %mul3A_286 = arith.constant 2048 : i32
        %mul3A_287 = arith.muli %rem3A_285, %mul3A_286 : i32
        %multiple_of3A_288 = tpu.assume_multiple %mul3A_287, 2048 : i32
        %mul3A_289 = arith.constant 32 : i32
        %mul3A_290 = arith.muli %add3A_263, %mul3A_289 : i32
        %dma_start3A_291 = tpu.memref_slice %arg5[%mul3A_290] : memref<4096xi32, #tpu.memory_space<vmem>> -> memref<32xi32, #tpu.memory_space<vmem>>
        %dma_start3A_292 = arith.constant 0 : i32
        %dma_start3A_293 = tpu.memref_slice %arg3[%multiple_of3A_288, %dma_start3A_292] : memref<16384x512xf32, #tpu.memory_space<hbm>> -> memref<2048x512xf32, #tpu.memory_space<hbm>>
        %dma_start3A_294 = arith.constant 0 : i32
        %dma_start3A_295 = arith.constant 0 : i32
        %dma_start3A_296 = tpu.memref_slice %dma_start3A_293[%dma_start3A_294, %dma_start3A_295] : memref<2048x512xf32, #tpu.memory_space<hbm>> -> memref<2048x512xf32, #tpu.memory_space<hbm>>
        tpu.enqueue_indirect_dma source(%dma_start3A_296 : memref<2048x512xf32, #tpu.memory_space<hbm>>) target(%arg10 : memref<32x512xf32, #tpu.memory_space<vmem>>) offsets(%dma_start3A_291 : memref<32xi32, #tpu.memory_space<vmem>>) semaphore(%arg12 : memref<!tpu.dma_semaphore, #tpu.memory_space<semaphore_mem>>)
      } else {
      }
      %mul3A_142 = arith.constant 32 : i32
      %mul3A_143 = arith.muli %add3A_124, %mul3A_142 : i32
      %add3A_144 = arith.addi %mul3A_2, %mul3A_143 : i32
      %dma_start3A_145 = arith.constant 0 : i32
      %dma_start3A_146 = tpu.memref_slice %arg4[%add3A_144, %dma_start3A_145] : memref<131072x512xf32, #tpu.memory_space<hbm>> -> memref<32x512xf32, #tpu.memory_space<hbm>>
      %dma_start3A_147 = arith.constant 0 : i32
      %dma_start3A_148 = tpu.memref_slice %arg4[%add3A_144, %dma_start3A_147] : memref<131072x512xf32, #tpu.memory_space<hbm>> -> memref<32x512xf32, #tpu.memory_space<hbm>>
      tpu.enqueue_dma source(%arg7 : memref<32x512xf32, #tpu.memory_space<vmem>>) target(%dma_start3A_148 : memref<32x512xf32, #tpu.memory_space<hbm>>) target_semaphore(%arg13 : memref<!tpu.dma_semaphore, #tpu.memory_space<semaphore_mem>>)
      %mul3A_149 = arith.constant 6 : i32
      %mul3A_150 = arith.muli %scan3A_95, %mul3A_149 : i32
      %add3A_151 = arith.constant 2 : i32
      %add3A_152 = arith.addi %mul3A_150, %add3A_151 : i32
      %dma_wait3A_153 = arith.constant 0 : i32
      %dma_wait3A_154 = tpu.memref_slice %arg5[%dma_wait3A_153] : memref<4096xi32, #tpu.memory_space<vmem>> -> memref<32xi32, #tpu.memory_space<vmem>>
      %dma_wait3A_155 = arith.constant 0 : i32
      %dma_wait3A_156 = arith.constant 0 : i32
      %dma_wait3A_157 = tpu.memref_slice %arg3[%dma_wait3A_155, %dma_wait3A_156] : memref<16384x512xf32, #tpu.memory_space<hbm>> -> memref<16384x512xf32, #tpu.memory_space<hbm>>
      tpu.wait_indirect_dma semaphore(%arg12 : memref<!tpu.dma_semaphore, #tpu.memory_space<semaphore_mem>>) src(%dma_wait3A_157 : memref<16384x512xf32, #tpu.memory_space<hbm>>) dst(%arg8 : memref<32x512xf32, #tpu.memory_space<vmem>>)
      %ge3A_158 = arith.constant 3 : i32
      %ge3A_159 = arith.cmpi sge, %add3A_152, %ge3A_158 : i32
      %convert_element_type3A_160 = arith.extui %ge3A_159 : i1 to i32
      %cond3A_161 = arith.constant 0 : i32
      %cond3A_162 = arith.cmpi ne, %convert_element_type3A_160, %cond3A_161 : i32
      scf.if %cond3A_162 {
        %dma_wait3A_262 = arith.constant 0 : i32
        %dma_wait3A_263 = tpu.memref_slice %arg4[%mul3A_2, %dma_wait3A_262] : memref<131072x512xf32, #tpu.memory_space<hbm>> -> memref<32x512xf32, #tpu.memory_space<hbm>>
        %dma_wait3A_264 = arith.constant 0 : i32
        %dma_wait3A_265 = tpu.memref_slice %arg4[%mul3A_2, %dma_wait3A_264] : memref<131072x512xf32, #tpu.memory_space<hbm>> -> memref<32x512xf32, #tpu.memory_space<hbm>>
        tpu.wait_dma2 semaphore(%arg13 : memref<!tpu.dma_semaphore, #tpu.memory_space<semaphore_mem>>) src(%arg11 : memref<32x512xf32, #tpu.memory_space<vmem>>) dst(%dma_wait3A_265 : memref<32x512xf32, #tpu.memory_space<hbm>>)
      } else {
      }
      %add3A_163 = arith.constant 3 : i32
      %add3A_164 = arith.addi %add3A_152, %add3A_163 : i32
      %lt3A_165 = arith.constant 128 : i32
      %lt3A_166 = arith.cmpi slt, %add3A_164, %lt3A_165 : i32
      %convert_element_type3A_167 = arith.extui %lt3A_166 : i1 to i32
      %cond3A_168 = arith.constant 0 : i32
      %cond3A_169 = arith.cmpi ne, %convert_element_type3A_167, %cond3A_168 : i32
      scf.if %cond3A_169 {
        %add3A_262 = arith.constant 3 : i32
        %add3A_263 = arith.addi %add3A_152, %add3A_262 : i32
        %mul3A_264 = arith.constant 2 : i32
        %mul3A_265 = arith.muli %add3A, %mul3A_264 : i32
        %jit3A = arith.constant 64 : i32
        %div3A = arith.divsi %add3A_263, %jit3A : i32
        %sign3A = arith.constant 0 : i32
        %sign3A_266 = arith.cmpi sgt, %add3A_263, %sign3A : i32
        %sign3A_267 = arith.extui %sign3A_266 : i1 to i32
        %sign3A_268 = arith.constant 0 : i32
        %sign3A_269 = arith.cmpi slt, %add3A_263, %sign3A_268 : i32
        %sign3A_270 = arith.extui %sign3A_269 : i1 to i32
        %sign3A_271 = arith.subi %sign3A_267, %sign3A_270 : i32
        %sign3A_272 = arith.constant 0 : i32
        %sign3A_273 = arith.cmpi sgt, %jit3A, %sign3A_272 : i32
        %sign3A_274 = arith.extui %sign3A_273 : i1 to i32
        %sign3A_275 = arith.constant 0 : i32
        %sign3A_276 = arith.cmpi slt, %jit3A, %sign3A_275 : i32
        %sign3A_277 = arith.extui %sign3A_276 : i1 to i32
        %sign3A_278 = arith.subi %sign3A_274, %sign3A_277 : i32
        %ne3A = arith.cmpi ne, %sign3A_271, %sign3A_278 : i32
        %rem3A_279 = arith.remsi %add3A_263, %jit3A : i32
        %ne3A_280 = arith.constant 0 : i32
        %ne3A_281 = arith.cmpi ne, %rem3A_279, %ne3A_280 : i32
        %and3A = arith.andi %ne3A, %ne3A_281 : i1
        %sub3A = arith.constant 1 : i32
        %sub3A_282 = arith.subi %div3A, %sub3A : i32
        %select_n3A = arith.select %and3A, %sub3A_282, %div3A : i32
        %add3A_283 = arith.addi %mul3A_265, %select_n3A : i32
        %rem3A_284 = arith.constant 8 : i32
        %rem3A_285 = arith.remsi %add3A_283, %rem3A_284 : i32
        %mul3A_286 = arith.constant 2048 : i32
        %mul3A_287 = arith.muli %rem3A_285, %mul3A_286 : i32
        %multiple_of3A_288 = tpu.assume_multiple %mul3A_287, 2048 : i32
        %mul3A_289 = arith.constant 32 : i32
        %mul3A_290 = arith.muli %add3A_263, %mul3A_289 : i32
        %dma_start3A_291 = tpu.memref_slice %arg5[%mul3A_290] : memref<4096xi32, #tpu.memory_space<vmem>> -> memref<32xi32, #tpu.memory_space<vmem>>
        %dma_start3A_292 = arith.constant 0 : i32
        %dma_start3A_293 = tpu.memref_slice %arg3[%multiple_of3A_288, %dma_start3A_292] : memref<16384x512xf32, #tpu.memory_space<hbm>> -> memref<2048x512xf32, #tpu.memory_space<hbm>>
        %dma_start3A_294 = arith.constant 0 : i32
        %dma_start3A_295 = arith.constant 0 : i32
        %dma_start3A_296 = tpu.memref_slice %dma_start3A_293[%dma_start3A_294, %dma_start3A_295] : memref<2048x512xf32, #tpu.memory_space<hbm>> -> memref<2048x512xf32, #tpu.memory_space<hbm>>
        tpu.enqueue_indirect_dma source(%dma_start3A_296 : memref<2048x512xf32, #tpu.memory_space<hbm>>) target(%arg11 : memref<32x512xf32, #tpu.memory_space<vmem>>) offsets(%dma_start3A_291 : memref<32xi32, #tpu.memory_space<vmem>>) semaphore(%arg12 : memref<!tpu.dma_semaphore, #tpu.memory_space<semaphore_mem>>)
      } else {
      }
      %mul3A_170 = arith.constant 32 : i32
      %mul3A_171 = arith.muli %add3A_152, %mul3A_170 : i32
      %add3A_172 = arith.addi %mul3A_2, %mul3A_171 : i32
      %dma_start3A_173 = arith.constant 0 : i32
      %dma_start3A_174 = tpu.memref_slice %arg4[%add3A_172, %dma_start3A_173] : memref<131072x512xf32, #tpu.memory_space<hbm>> -> memref<32x512xf32, #tpu.memory_space<hbm>>
      %dma_start3A_175 = arith.constant 0 : i32
      %dma_start3A_176 = tpu.memref_slice %arg4[%add3A_172, %dma_start3A_175] : memref<131072x512xf32, #tpu.memory_space<hbm>> -> memref<32x512xf32, #tpu.memory_space<hbm>>
      tpu.enqueue_dma source(%arg8 : memref<32x512xf32, #tpu.memory_space<vmem>>) target(%dma_start3A_176 : memref<32x512xf32, #tpu.memory_space<hbm>>) target_semaphore(%arg13 : memref<!tpu.dma_semaphore, #tpu.memory_space<semaphore_mem>>)
      %mul3A_177 = arith.constant 6 : i32
      %mul3A_178 = arith.muli %scan3A_95, %mul3A_177 : i32
      %add3A_179 = arith.constant 3 : i32
      %add3A_180 = arith.addi %mul3A_178, %add3A_179 : i32
      %dma_wait3A_181 = arith.constant 0 : i32
      %dma_wait3A_182 = tpu.memref_slice %arg5[%dma_wait3A_181] : memref<4096xi32, #tpu.memory_space<vmem>> -> memref<32xi32, #tpu.memory_space<vmem>>
      %dma_wait3A_183 = arith.constant 0 : i32
      %dma_wait3A_184 = arith.constant 0 : i32
      %dma_wait3A_185 = tpu.memref_slice %arg3[%dma_wait3A_183, %dma_wait3A_184] : memref<16384x512xf32, #tpu.memory_space<hbm>> -> memref<16384x512xf32, #tpu.memory_space<hbm>>
      tpu.wait_indirect_dma semaphore(%arg12 : memref<!tpu.dma_semaphore, #tpu.memory_space<semaphore_mem>>) src(%dma_wait3A_185 : memref<16384x512xf32, #tpu.memory_space<hbm>>) dst(%arg9 : memref<32x512xf32, #tpu.memory_space<vmem>>)
      %ge3A_186 = arith.constant 3 : i32
      %ge3A_187 = arith.cmpi sge, %add3A_180, %ge3A_186 : i32
      %convert_element_type3A_188 = arith.extui %ge3A_187 : i1 to i32
      %cond3A_189 = arith.constant 0 : i32
      %cond3A_190 = arith.cmpi ne, %convert_element_type3A_188, %cond3A_189 : i32
      scf.if %cond3A_190 {
        %dma_wait3A_262 = arith.constant 0 : i32
        %dma_wait3A_263 = tpu.memref_slice %arg4[%mul3A_2, %dma_wait3A_262] : memref<131072x512xf32, #tpu.memory_space<hbm>> -> memref<32x512xf32, #tpu.memory_space<hbm>>
        %dma_wait3A_264 = arith.constant 0 : i32
        %dma_wait3A_265 = tpu.memref_slice %arg4[%mul3A_2, %dma_wait3A_264] : memref<131072x512xf32, #tpu.memory_space<hbm>> -> memref<32x512xf32, #tpu.memory_space<hbm>>
        tpu.wait_dma2 semaphore(%arg13 : memref<!tpu.dma_semaphore, #tpu.memory_space<semaphore_mem>>) src(%arg6 : memref<32x512xf32, #tpu.memory_space<vmem>>) dst(%dma_wait3A_265 : memref<32x512xf32, #tpu.memory_space<hbm>>)
      } else {
      }
      %add3A_191 = arith.constant 3 : i32
      %add3A_192 = arith.addi %add3A_180, %add3A_191 : i32
      %lt3A_193 = arith.constant 128 : i32
      %lt3A_194 = arith.cmpi slt, %add3A_192, %lt3A_193 : i32
      %convert_element_type3A_195 = arith.extui %lt3A_194 : i1 to i32
      %cond3A_196 = arith.constant 0 : i32
      %cond3A_197 = arith.cmpi ne, %convert_element_type3A_195, %cond3A_196 : i32
      scf.if %cond3A_197 {
        %add3A_262 = arith.constant 3 : i32
        %add3A_263 = arith.addi %add3A_180, %add3A_262 : i32
        %mul3A_264 = arith.constant 2 : i32
        %mul3A_265 = arith.muli %add3A, %mul3A_264 : i32
        %jit3A = arith.constant 64 : i32
        %div3A = arith.divsi %add3A_263, %jit3A : i32
        %sign3A = arith.constant 0 : i32
        %sign3A_266 = arith.cmpi sgt, %add3A_263, %sign3A : i32
        %sign3A_267 = arith.extui %sign3A_266 : i1 to i32
        %sign3A_268 = arith.constant 0 : i32
        %sign3A_269 = arith.cmpi slt, %add3A_263, %sign3A_268 : i32
        %sign3A_270 = arith.extui %sign3A_269 : i1 to i32
        %sign3A_271 = arith.subi %sign3A_267, %sign3A_270 : i32
        %sign3A_272 = arith.constant 0 : i32
        %sign3A_273 = arith.cmpi sgt, %jit3A, %sign3A_272 : i32
        %sign3A_274 = arith.extui %sign3A_273 : i1 to i32
        %sign3A_275 = arith.constant 0 : i32
        %sign3A_276 = arith.cmpi slt, %jit3A, %sign3A_275 : i32
        %sign3A_277 = arith.extui %sign3A_276 : i1 to i32
        %sign3A_278 = arith.subi %sign3A_274, %sign3A_277 : i32
        %ne3A = arith.cmpi ne, %sign3A_271, %sign3A_278 : i32
        %rem3A_279 = arith.remsi %add3A_263, %jit3A : i32
        %ne3A_280 = arith.constant 0 : i32
        %ne3A_281 = arith.cmpi ne, %rem3A_279, %ne3A_280 : i32
        %and3A = arith.andi %ne3A, %ne3A_281 : i1
        %sub3A = arith.constant 1 : i32
        %sub3A_282 = arith.subi %div3A, %sub3A : i32
        %select_n3A = arith.select %and3A, %sub3A_282, %div3A : i32
        %add3A_283 = arith.addi %mul3A_265, %select_n3A : i32
        %rem3A_284 = arith.constant 8 : i32
        %rem3A_285 = arith.remsi %add3A_283, %rem3A_284 : i32
        %mul3A_286 = arith.constant 2048 : i32
        %mul3A_287 = arith.muli %rem3A_285, %mul3A_286 : i32
        %multiple_of3A_288 = tpu.assume_multiple %mul3A_287, 2048 : i32
        %mul3A_289 = arith.constant 32 : i32
        %mul3A_290 = arith.muli %add3A_263, %mul3A_289 : i32
        %dma_start3A_291 = tpu.memref_slice %arg5[%mul3A_290] : memref<4096xi32, #tpu.memory_space<vmem>> -> memref<32xi32, #tpu.memory_space<vmem>>
        %dma_start3A_292 = arith.constant 0 : i32
        %dma_start3A_293 = tpu.memref_slice %arg3[%multiple_of3A_288, %dma_start3A_292] : memref<16384x512xf32, #tpu.memory_space<hbm>> -> memref<2048x512xf32, #tpu.memory_space<hbm>>
        %dma_start3A_294 = arith.constant 0 : i32
        %dma_start3A_295 = arith.constant 0 : i32
        %dma_start3A_296 = tpu.memref_slice %dma_start3A_293[%dma_start3A_294, %dma_start3A_295] : memref<2048x512xf32, #tpu.memory_space<hbm>> -> memref<2048x512xf32, #tpu.memory_space<hbm>>
        tpu.enqueue_indirect_dma source(%dma_start3A_296 : memref<2048x512xf32, #tpu.memory_space<hbm>>) target(%arg6 : memref<32x512xf32, #tpu.memory_space<vmem>>) offsets(%dma_start3A_291 : memref<32xi32, #tpu.memory_space<vmem>>) semaphore(%arg12 : memref<!tpu.dma_semaphore, #tpu.memory_space<semaphore_mem>>)
      } else {
      }
      %mul3A_198 = arith.constant 32 : i32
      %mul3A_199 = arith.muli %add3A_180, %mul3A_198 : i32
      %add3A_200 = arith.addi %mul3A_2, %mul3A_199 : i32
      %dma_start3A_201 = arith.constant 0 : i32
      %dma_start3A_202 = tpu.memref_slice %arg4[%add3A_200, %dma_start3A_201] : memref<131072x512xf32, #tpu.memory_space<hbm>> -> memref<32x512xf32, #tpu.memory_space<hbm>>
      %dma_start3A_203 = arith.constant 0 : i32
      %dma_start3A_204 = tpu.memref_slice %arg4[%add3A_200, %dma_start3A_203] : memref<131072x512xf32, #tpu.memory_space<hbm>> -> memref<32x512xf32, #tpu.memory_space<hbm>>
      tpu.enqueue_dma source(%arg9 : memref<32x512xf32, #tpu.memory_space<vmem>>) target(%dma_start3A_204 : memref<32x512xf32, #tpu.memory_space<hbm>>) target_semaphore(%arg13 : memref<!tpu.dma_semaphore, #tpu.memory_space<semaphore_mem>>)
      %mul3A_205 = arith.constant 6 : i32
      %mul3A_206 = arith.muli %scan3A_95, %mul3A_205 : i32
      %add3A_207 = arith.constant 4 : i32
      %add3A_208 = arith.addi %mul3A_206, %add3A_207 : i32
      %dma_wait3A_209 = arith.constant 0 : i32
      %dma_wait3A_210 = tpu.memref_slice %arg5[%dma_wait3A_209] : memref<4096xi32, #tpu.memory_space<vmem>> -> memref<32xi32, #tpu.memory_space<vmem>>
      %dma_wait3A_211 = arith.constant 0 : i32
      %dma_wait3A_212 = arith.constant 0 : i32
      %dma_wait3A_213 = tpu.memref_slice %arg3[%dma_wait3A_211, %dma_wait3A_212] : memref<16384x512xf32, #tpu.memory_space<hbm>> -> memref<16384x512xf32, #tpu.memory_space<hbm>>
      tpu.wait_indirect_dma semaphore(%arg12 : memref<!tpu.dma_semaphore, #tpu.memory_space<semaphore_mem>>) src(%dma_wait3A_213 : memref<16384x512xf32, #tpu.memory_space<hbm>>) dst(%arg10 : memref<32x512xf32, #tpu.memory_space<vmem>>)
      %ge3A_214 = arith.constant 3 : i32
      %ge3A_215 = arith.cmpi sge, %add3A_208, %ge3A_214 : i32
      %convert_element_type3A_216 = arith.extui %ge3A_215 : i1 to i32
      %cond3A_217 = arith.constant 0 : i32
      %cond3A_218 = arith.cmpi ne, %convert_element_type3A_216, %cond3A_217 : i32
      scf.if %cond3A_218 {
        %dma_wait3A_262 = arith.constant 0 : i32
        %dma_wait3A_263 = tpu.memref_slice %arg4[%mul3A_2, %dma_wait3A_262] : memref<131072x512xf32, #tpu.memory_space<hbm>> -> memref<32x512xf32, #tpu.memory_space<hbm>>
        %dma_wait3A_264 = arith.constant 0 : i32
        %dma_wait3A_265 = tpu.memref_slice %arg4[%mul3A_2, %dma_wait3A_264] : memref<131072x512xf32, #tpu.memory_space<hbm>> -> memref<32x512xf32, #tpu.memory_space<hbm>>
        tpu.wait_dma2 semaphore(%arg13 : memref<!tpu.dma_semaphore, #tpu.memory_space<semaphore_mem>>) src(%arg7 : memref<32x512xf32, #tpu.memory_space<vmem>>) dst(%dma_wait3A_265 : memref<32x512xf32, #tpu.memory_space<hbm>>)
      } else {
      }
      %add3A_219 = arith.constant 3 : i32
      %add3A_220 = arith.addi %add3A_208, %add3A_219 : i32
      %lt3A_221 = arith.constant 128 : i32
      %lt3A_222 = arith.cmpi slt, %add3A_220, %lt3A_221 : i32
      %convert_element_type3A_223 = arith.extui %lt3A_222 : i1 to i32
      %cond3A_224 = arith.constant 0 : i32
      %cond3A_225 = arith.cmpi ne, %convert_element_type3A_223, %cond3A_224 : i32
      scf.if %cond3A_225 {
        %add3A_262 = arith.constant 3 : i32
        %add3A_263 = arith.addi %add3A_208, %add3A_262 : i32
        %mul3A_264 = arith.constant 2 : i32
        %mul3A_265 = arith.muli %add3A, %mul3A_264 : i32
        %jit3A = arith.constant 64 : i32
        %div3A = arith.divsi %add3A_263, %jit3A : i32
        %sign3A = arith.constant 0 : i32
        %sign3A_266 = arith.cmpi sgt, %add3A_263, %sign3A : i32
        %sign3A_267 = arith.extui %sign3A_266 : i1 to i32
        %sign3A_268 = arith.constant 0 : i32
        %sign3A_269 = arith.cmpi slt, %add3A_263, %sign3A_268 : i32
        %sign3A_270 = arith.extui %sign3A_269 : i1 to i32
        %sign3A_271 = arith.subi %sign3A_267, %sign3A_270 : i32
        %sign3A_272 = arith.constant 0 : i32
        %sign3A_273 = arith.cmpi sgt, %jit3A, %sign3A_272 : i32
        %sign3A_274 = arith.extui %sign3A_273 : i1 to i32
        %sign3A_275 = arith.constant 0 : i32
        %sign3A_276 = arith.cmpi slt, %jit3A, %sign3A_275 : i32
        %sign3A_277 = arith.extui %sign3A_276 : i1 to i32
        %sign3A_278 = arith.subi %sign3A_274, %sign3A_277 : i32
        %ne3A = arith.cmpi ne, %sign3A_271, %sign3A_278 : i32
        %rem3A_279 = arith.remsi %add3A_263, %jit3A : i32
        %ne3A_280 = arith.constant 0 : i32
        %ne3A_281 = arith.cmpi ne, %rem3A_279, %ne3A_280 : i32
        %and3A = arith.andi %ne3A, %ne3A_281 : i1
        %sub3A = arith.constant 1 : i32
        %sub3A_282 = arith.subi %div3A, %sub3A : i32
        %select_n3A = arith.select %and3A, %sub3A_282, %div3A : i32
        %add3A_283 = arith.addi %mul3A_265, %select_n3A : i32
        %rem3A_284 = arith.constant 8 : i32
        %rem3A_285 = arith.remsi %add3A_283, %rem3A_284 : i32
        %mul3A_286 = arith.constant 2048 : i32
        %mul3A_287 = arith.muli %rem3A_285, %mul3A_286 : i32
        %multiple_of3A_288 = tpu.assume_multiple %mul3A_287, 2048 : i32
        %mul3A_289 = arith.constant 32 : i32
        %mul3A_290 = arith.muli %add3A_263, %mul3A_289 : i32
        %dma_start3A_291 = tpu.memref_slice %arg5[%mul3A_290] : memref<4096xi32, #tpu.memory_space<vmem>> -> memref<32xi32, #tpu.memory_space<vmem>>
        %dma_start3A_292 = arith.constant 0 : i32
        %dma_start3A_293 = tpu.memref_slice %arg3[%multiple_of3A_288, %dma_start3A_292] : memref<16384x512xf32, #tpu.memory_space<hbm>> -> memref<2048x512xf32, #tpu.memory_space<hbm>>
        %dma_start3A_294 = arith.constant 0 : i32
        %dma_start3A_295 = arith.constant 0 : i32
        %dma_start3A_296 = tpu.memref_slice %dma_start3A_293[%dma_start3A_294, %dma_start3A_295] : memref<2048x512xf32, #tpu.memory_space<hbm>> -> memref<2048x512xf32, #tpu.memory_space<hbm>>
        tpu.enqueue_indirect_dma source(%dma_start3A_296 : memref<2048x512xf32, #tpu.memory_space<hbm>>) target(%arg7 : memref<32x512xf32, #tpu.memory_space<vmem>>) offsets(%dma_start3A_291 : memref<32xi32, #tpu.memory_space<vmem>>) semaphore(%arg12 : memref<!tpu.dma_semaphore, #tpu.memory_space<semaphore_mem>>)
      } else {
      }
      %mul3A_226 = arith.constant 32 : i32
      %mul3A_227 = arith.muli %add3A_208, %mul3A_226 : i32
      %add3A_228 = arith.addi %mul3A_2, %mul3A_227 : i32
      %dma_start3A_229 = arith.constant 0 : i32
      %dma_start3A_230 = tpu.memref_slice %arg4[%add3A_228, %dma_start3A_229] : memref<131072x512xf32, #tpu.memory_space<hbm>> -> memref<32x512xf32, #tpu.memory_space<hbm>>
      %dma_start3A_231 = arith.constant 0 : i32
      %dma_start3A_232 = tpu.memref_slice %arg4[%add3A_228, %dma_start3A_231] : memref<131072x512xf32, #tpu.memory_space<hbm>> -> memref<32x512xf32, #tpu.memory_space<hbm>>
      tpu.enqueue_dma source(%arg10 : memref<32x512xf32, #tpu.memory_space<vmem>>) target(%dma_start3A_232 : memref<32x512xf32, #tpu.memory_space<hbm>>) target_semaphore(%arg13 : memref<!tpu.dma_semaphore, #tpu.memory_space<semaphore_mem>>)
      %mul3A_233 = arith.constant 6 : i32
      %mul3A_234 = arith.muli %scan3A_95, %mul3A_233 : i32
      %add3A_235 = arith.constant 5 : i32
      %add3A_236 = arith.addi %mul3A_234, %add3A_235 : i32
      %dma_wait3A_237 = arith.constant 0 : i32
      %dma_wait3A_238 = tpu.memref_slice %arg5[%dma_wait3A_237] : memref<4096xi32, #tpu.memory_space<vmem>> -> memref<32xi32, #tpu.memory_space<vmem>>
      %dma_wait3A_239 = arith.constant 0 : i32
      %dma_wait3A_240 = arith.constant 0 : i32
      %dma_wait3A_241 = tpu.memref_slice %arg3[%dma_wait3A_239, %dma_wait3A_240] : memref<16384x512xf32, #tpu.memory_space<hbm>> -> memref<16384x512xf32, #tpu.memory_space<hbm>>
      tpu.wait_indirect_dma semaphore(%arg12 : memref<!tpu.dma_semaphore, #tpu.memory_space<semaphore_mem>>) src(%dma_wait3A_241 : memref<16384x512xf32, #tpu.memory_space<hbm>>) dst(%arg11 : memref<32x512xf32, #tpu.memory_space<vmem>>)
      %ge3A_242 = arith.constant 3 : i32
      %ge3A_243 = arith.cmpi sge, %add3A_236, %ge3A_242 : i32
      %convert_element_type3A_244 = arith.extui %ge3A_243 : i1 to i32
      %cond3A_245 = arith.constant 0 : i32
      %cond3A_246 = arith.cmpi ne, %convert_element_type3A_244, %cond3A_245 : i32
      scf.if %cond3A_246 {
        %dma_wait3A_262 = arith.constant 0 : i32
        %dma_wait3A_263 = tpu.memref_slice %arg4[%mul3A_2, %dma_wait3A_262] : memref<131072x512xf32, #tpu.memory_space<hbm>> -> memref<32x512xf32, #tpu.memory_space<hbm>>
        %dma_wait3A_264 = arith.constant 0 : i32
        %dma_wait3A_265 = tpu.memref_slice %arg4[%mul3A_2, %dma_wait3A_264] : memref<131072x512xf32, #tpu.memory_space<hbm>> -> memref<32x512xf32, #tpu.memory_space<hbm>>
        tpu.wait_dma2 semaphore(%arg13 : memref<!tpu.dma_semaphore, #tpu.memory_space<semaphore_mem>>) src(%arg8 : memref<32x512xf32, #tpu.memory_space<vmem>>) dst(%dma_wait3A_265 : memref<32x512xf32, #tpu.memory_space<hbm>>)
      } else {
      }
      %add3A_247 = arith.constant 3 : i32
      %add3A_248 = arith.addi %add3A_236, %add3A_247 : i32
      %lt3A_249 = arith.constant 128 : i32
      %lt3A_250 = arith.cmpi slt, %add3A_248, %lt3A_249 : i32
      %convert_element_type3A_251 = arith.extui %lt3A_250 : i1 to i32
      %cond3A_252 = arith.constant 0 : i32
      %cond3A_253 = arith.cmpi ne, %convert_element_type3A_251, %cond3A_252 : i32
      scf.if %cond3A_253 {
        %add3A_262 = arith.constant 3 : i32
        %add3A_263 = arith.addi %add3A_236, %add3A_262 : i32
        %mul3A_264 = arith.constant 2 : i32
        %mul3A_265 = arith.muli %add3A, %mul3A_264 : i32
        %jit3A = arith.constant 64 : i32
        %div3A = arith.divsi %add3A_263, %jit3A : i32
        %sign3A = arith.constant 0 : i32
        %sign3A_266 = arith.cmpi sgt, %add3A_263, %sign3A : i32
        %sign3A_267 = arith.extui %sign3A_266 : i1 to i32
        %sign3A_268 = arith.constant 0 : i32
        %sign3A_269 = arith.cmpi slt, %add3A_263, %sign3A_268 : i32
        %sign3A_270 = arith.extui %sign3A_269 : i1 to i32
        %sign3A_271 = arith.subi %sign3A_267, %sign3A_270 : i32
        %sign3A_272 = arith.constant 0 : i32
        %sign3A_273 = arith.cmpi sgt, %jit3A, %sign3A_272 : i32
        %sign3A_274 = arith.extui %sign3A_273 : i1 to i32
        %sign3A_275 = arith.constant 0 : i32
        %sign3A_276 = arith.cmpi slt, %jit3A, %sign3A_275 : i32
        %sign3A_277 = arith.extui %sign3A_276 : i1 to i32
        %sign3A_278 = arith.subi %sign3A_274, %sign3A_277 : i32
        %ne3A = arith.cmpi ne, %sign3A_271, %sign3A_278 : i32
        %rem3A_279 = arith.remsi %add3A_263, %jit3A : i32
        %ne3A_280 = arith.constant 0 : i32
        %ne3A_281 = arith.cmpi ne, %rem3A_279, %ne3A_280 : i32
        %and3A = arith.andi %ne3A, %ne3A_281 : i1
        %sub3A = arith.constant 1 : i32
        %sub3A_282 = arith.subi %div3A, %sub3A : i32
        %select_n3A = arith.select %and3A, %sub3A_282, %div3A : i32
        %add3A_283 = arith.addi %mul3A_265, %select_n3A : i32
        %rem3A_284 = arith.constant 8 : i32
        %rem3A_285 = arith.remsi %add3A_283, %rem3A_284 : i32
        %mul3A_286 = arith.constant 2048 : i32
        %mul3A_287 = arith.muli %rem3A_285, %mul3A_286 : i32
        %multiple_of3A_288 = tpu.assume_multiple %mul3A_287, 2048 : i32
        %mul3A_289 = arith.constant 32 : i32
        %mul3A_290 = arith.muli %add3A_263, %mul3A_289 : i32
        %dma_start3A_291 = tpu.memref_slice %arg5[%mul3A_290] : memref<4096xi32, #tpu.memory_space<vmem>> -> memref<32xi32, #tpu.memory_space<vmem>>
        %dma_start3A_292 = arith.constant 0 : i32
        %dma_start3A_293 = tpu.memref_slice %arg3[%multiple_of3A_288, %dma_start3A_292] : memref<16384x512xf32, #tpu.memory_space<hbm>> -> memref<2048x512xf32, #tpu.memory_space<hbm>>
        %dma_start3A_294 = arith.constant 0 : i32
        %dma_start3A_295 = arith.constant 0 : i32
        %dma_start3A_296 = tpu.memref_slice %dma_start3A_293[%dma_start3A_294, %dma_start3A_295] : memref<2048x512xf32, #tpu.memory_space<hbm>> -> memref<2048x512xf32, #tpu.memory_space<hbm>>
        tpu.enqueue_indirect_dma source(%dma_start3A_296 : memref<2048x512xf32, #tpu.memory_space<hbm>>) target(%arg8 : memref<32x512xf32, #tpu.memory_space<vmem>>) offsets(%dma_start3A_291 : memref<32xi32, #tpu.memory_space<vmem>>) semaphore(%arg12 : memref<!tpu.dma_semaphore, #tpu.memory_space<semaphore_mem>>)
      } else {
      }
      %mul3A_254 = arith.constant 32 : i32
      %mul3A_255 = arith.muli %add3A_236, %mul3A_254 : i32
      %add3A_256 = arith.addi %mul3A_2, %mul3A_255 : i32
      %dma_start3A_257 = arith.constant 0 : i32
      %dma_start3A_258 = tpu.memref_slice %arg4[%add3A_256, %dma_start3A_257] : memref<131072x512xf32, #tpu.memory_space<hbm>> -> memref<32x512xf32, #tpu.memory_space<hbm>>
      %dma_start3A_259 = arith.constant 0 : i32
      %dma_start3A_260 = tpu.memref_slice %arg4[%add3A_256, %dma_start3A_259] : memref<131072x512xf32, #tpu.memory_space<hbm>> -> memref<32x512xf32, #tpu.memory_space<hbm>>
      tpu.enqueue_dma source(%arg11 : memref<32x512xf32, #tpu.memory_space<vmem>>) target(%dma_start3A_260 : memref<32x512xf32, #tpu.memory_space<hbm>>) target_semaphore(%arg13 : memref<!tpu.dma_semaphore, #tpu.memory_space<semaphore_mem>>)
      %scan3A_261 = arith.constant 0 : i32
      scf.yield %scan3A_261 : i32
    }
    %scan3A_53 = arith.constant 21 : i32
    %dma_wait3A = arith.constant 0 : i32
    %dma_wait3A_54 = tpu.memref_slice %arg5[%dma_wait3A] : memref<4096xi32, #tpu.memory_space<vmem>> -> memref<32xi32, #tpu.memory_space<vmem>>
    %dma_wait3A_55 = arith.constant 0 : i32
    %dma_wait3A_56 = arith.constant 0 : i32
    %dma_wait3A_57 = tpu.memref_slice %arg3[%dma_wait3A_55, %dma_wait3A_56] : memref<16384x512xf32, #tpu.memory_space<hbm>> -> memref<16384x512xf32, #tpu.memory_space<hbm>>
    tpu.wait_indirect_dma semaphore(%arg12 : memref<!tpu.dma_semaphore, #tpu.memory_space<semaphore_mem>>) src(%dma_wait3A_57 : memref<16384x512xf32, #tpu.memory_space<hbm>>) dst(%arg6 : memref<32x512xf32, #tpu.memory_space<vmem>>)
    %dma_wait3A_58 = arith.constant 0 : i32
    %dma_wait3A_59 = tpu.memref_slice %arg4[%mul3A_2, %dma_wait3A_58] : memref<131072x512xf32, #tpu.memory_space<hbm>> -> memref<32x512xf32, #tpu.memory_space<hbm>>
    %dma_wait3A_60 = arith.constant 0 : i32
    %dma_wait3A_61 = tpu.memref_slice %arg4[%mul3A_2, %dma_wait3A_60] : memref<131072x512xf32, #tpu.memory_space<hbm>> -> memref<32x512xf32, #tpu.memory_space<hbm>>
    tpu.wait_dma2 semaphore(%arg13 : memref<!tpu.dma_semaphore, #tpu.memory_space<semaphore_mem>>) src(%arg9 : memref<32x512xf32, #tpu.memory_space<vmem>>) dst(%dma_wait3A_61 : memref<32x512xf32, #tpu.memory_space<hbm>>)
    %add3A_62 = arith.constant 4032 : i32
    %add3A_63 = arith.addi %mul3A_2, %add3A_62 : i32
    %dma_start3A_64 = arith.constant 0 : i32
    %dma_start3A_65 = tpu.memref_slice %arg4[%add3A_63, %dma_start3A_64] : memref<131072x512xf32, #tpu.memory_space<hbm>> -> memref<32x512xf32, #tpu.memory_space<hbm>>
    %dma_start3A_66 = arith.constant 0 : i32
    %dma_start3A_67 = tpu.memref_slice %arg4[%add3A_63, %dma_start3A_66] : memref<131072x512xf32, #tpu.memory_space<hbm>> -> memref<32x512xf32, #tpu.memory_space<hbm>>
    tpu.enqueue_dma source(%arg6 : memref<32x512xf32, #tpu.memory_space<vmem>>) target(%dma_start3A_67 : memref<32x512xf32, #tpu.memory_space<hbm>>) target_semaphore(%arg13 : memref<!tpu.dma_semaphore, #tpu.memory_space<semaphore_mem>>)
    %dma_wait3A_68 = arith.constant 0 : i32
    %dma_wait3A_69 = tpu.memref_slice %arg5[%dma_wait3A_68] : memref<4096xi32, #tpu.memory_space<vmem>> -> memref<32xi32, #tpu.memory_space<vmem>>
    %dma_wait3A_70 = arith.constant 0 : i32
    %dma_wait3A_71 = arith.constant 0 : i32
    %dma_wait3A_72 = tpu.memref_slice %arg3[%dma_wait3A_70, %dma_wait3A_71] : memref<16384x512xf32, #tpu.memory_space<hbm>> -> memref<16384x512xf32, #tpu.memory_space<hbm>>
    tpu.wait_indirect_dma semaphore(%arg12 : memref<!tpu.dma_semaphore, #tpu.memory_space<semaphore_mem>>) src(%dma_wait3A_72 : memref<16384x512xf32, #tpu.memory_space<hbm>>) dst(%arg7 : memref<32x512xf32, #tpu.memory_space<vmem>>)
    %dma_wait3A_73 = arith.constant 0 : i32
    %dma_wait3A_74 = tpu.memref_slice %arg4[%mul3A_2, %dma_wait3A_73] : memref<131072x512xf32, #tpu.memory_space<hbm>> -> memref<32x512xf32, #tpu.memory_space<hbm>>
    %dma_wait3A_75 = arith.constant 0 : i32
    %dma_wait3A_76 = tpu.memref_slice %arg4[%mul3A_2, %dma_wait3A_75] : memref<131072x512xf32, #tpu.memory_space<hbm>> -> memref<32x512xf32, #tpu.memory_space<hbm>>
    tpu.wait_dma2 semaphore(%arg13 : memref<!tpu.dma_semaphore, #tpu.memory_space<semaphore_mem>>) src(%arg10 : memref<32x512xf32, #tpu.memory_space<vmem>>) dst(%dma_wait3A_76 : memref<32x512xf32, #tpu.memory_space<hbm>>)
    %add3A_77 = arith.constant 4064 : i32
    %add3A_78 = arith.addi %mul3A_2, %add3A_77 : i32
    %dma_start3A_79 = arith.constant 0 : i32
    %dma_start3A_80 = tpu.memref_slice %arg4[%add3A_78, %dma_start3A_79] : memref<131072x512xf32, #tpu.memory_space<hbm>> -> memref<32x512xf32, #tpu.memory_space<hbm>>
    %dma_start3A_81 = arith.constant 0 : i32
    %dma_start3A_82 = tpu.memref_slice %arg4[%add3A_78, %dma_start3A_81] : memref<131072x512xf32, #tpu.memory_space<hbm>> -> memref<32x512xf32, #tpu.memory_space<hbm>>
    tpu.enqueue_dma source(%arg7 : memref<32x512xf32, #tpu.memory_space<vmem>>) target(%dma_start3A_82 : memref<32x512xf32, #tpu.memory_space<hbm>>) target_semaphore(%arg13 : memref<!tpu.dma_semaphore, #tpu.memory_space<semaphore_mem>>)
    %dma_wait3A_83 = arith.constant 0 : i32
    %dma_wait3A_84 = tpu.memref_slice %arg4[%mul3A_2, %dma_wait3A_83] : memref<131072x512xf32, #tpu.memory_space<hbm>> -> memref<32x512xf32, #tpu.memory_space<hbm>>
    %dma_wait3A_85 = arith.constant 0 : i32
    %dma_wait3A_86 = tpu.memref_slice %arg4[%mul3A_2, %dma_wait3A_85] : memref<131072x512xf32, #tpu.memory_space<hbm>> -> memref<32x512xf32, #tpu.memory_space<hbm>>
    tpu.wait_dma2 semaphore(%arg13 : memref<!tpu.dma_semaphore, #tpu.memory_space<semaphore_mem>>) src(%arg11 : memref<32x512xf32, #tpu.memory_space<vmem>>) dst(%dma_wait3A_86 : memref<32x512xf32, #tpu.memory_space<hbm>>)
    %dma_wait3A_87 = arith.constant 0 : i32
    %dma_wait3A_88 = tpu.memref_slice %arg4[%mul3A_2, %dma_wait3A_87] : memref<131072x512xf32, #tpu.memory_space<hbm>> -> memref<32x512xf32, #tpu.memory_space<hbm>>
    %dma_wait3A_89 = arith.constant 0 : i32
    %dma_wait3A_90 = tpu.memref_slice %arg4[%mul3A_2, %dma_wait3A_89] : memref<131072x512xf32, #tpu.memory_space<hbm>> -> memref<32x512xf32, #tpu.memory_space<hbm>>
    tpu.wait_dma2 semaphore(%arg13 : memref<!tpu.dma_semaphore, #tpu.memory_space<semaphore_mem>>) src(%arg6 : memref<32x512xf32, #tpu.memory_space<vmem>>) dst(%dma_wait3A_90 : memref<32x512xf32, #tpu.memory_space<hbm>>)
    %dma_wait3A_91 = arith.constant 0 : i32
    %dma_wait3A_92 = tpu.memref_slice %arg4[%mul3A_2, %dma_wait3A_91] : memref<131072x512xf32, #tpu.memory_space<hbm>> -> memref<32x512xf32, #tpu.memory_space<hbm>>
    %dma_wait3A_93 = arith.constant 0 : i32
    %dma_wait3A_94 = tpu.memref_slice %arg4[%mul3A_2, %dma_wait3A_93] : memref<131072x512xf32, #tpu.memory_space<hbm>> -> memref<32x512xf32, #tpu.memory_space<hbm>>
    tpu.wait_dma2 semaphore(%arg13 : memref<!tpu.dma_semaphore, #tpu.memory_space<semaphore_mem>>) src(%arg7 : memref<32x512xf32, #tpu.memory_space<vmem>>) dst(%dma_wait3A_94 : memref<32x512xf32, #tpu.memory_space<hbm>>)
    return
  }
}

</mosaic_0001>

<sc_bundles>
// kernel: _embed.3.cloned.1.call-start
scs
__scs_entry_jumppad:
0x0: {  	(pc) =	sbr.rel $0x88, $3  }
0x1: {  	(tag) =	ssettag $0x0;
	lr =	simm.s32 $0x1  }
0x2: {  	[smem:$0x3F9F] =	sst lr;
	_ =	strace $0xD0000000  }
0x3: {  	_ = 	snop  }
0x4: {  	_ = 	snop  }
0x5: {  	_ = 	snop  }
0x6: {  	_ = 	snop  }
0x7: {  	_ = 	snop  }
__scs_overlays_trampoline_lowered:
0x8: {  	[smem:$0x3FAE] =	sst s0  }
0x9: {  	[smem:$0x3FAF] =	sst s1  }
0xa: {  	[smem:$0x3FB0] =	sst s2  }
0xb: {  	[smem:$0x3FB1] =	sst s3  }
0xc: {  	[smem:$0x3FB2] =	sst s4  }
0xd: {  	[smem:$0x3FB3] =	sst s5  }
0xe: {  	[smem:$0x3FB4] =	sst s6  }
0xf: {  	[smem:$0x3FB5] =	sst s7  }
0x10: {  	[smem:$0x3FB6] =	sst s8  }
0x11: {  	[smem:$0x3FB7] =	sst s9;
	s0 =	simm.s32 @!p0 $0x0  }
0x12: {  	s1 =	sld [smem:$0x3F9D];
	s0 =	simm.s32 @p0 $0x1  }
0x13: {  	[smem:$0x3FB8] =	sst s0;
	s0 =	simm.s32 @!p1 $0x0  }
0x14: {  	s2 =	sld [smem:$0x3F9C];
	s0 =	simm.s32 @p1 $0x1  }
0x15: {  	[smem:$0x3FB9] =	sst s0;
	s0 =	simm.s32 @!p2 $0x0  }
0x16: {  	s3 =	sld [smem:$0x3FDB];
	s0 =	simm.s32 @p2 $0x1  }
0x17: {  	s4 =	simm.s32 $0x1BF5;
	[smem:$0x3FBB] =	sst s0  }
0x18: {  	s0 =	sld [smem:$0x3F9E];
	_ =	swait.ge [sflag:s4], $0x0  }
0x19: {  	s7 =	sld [smem:$0x3F9F]  }
0x1a: {  	s8 =	sadd.s32 $0xFFFFE003, lr  }
0x1b: {  	s9 =	sadd.s32 $0xFFFFFEF7, lr;
	s5 =	simm.s32 $0xFFFFFFFF;
	p2 =	slt.u32 s8, $0xFFFFF086  }
0x1c: {  	p1 =	slt.u32 s9, $0xF7A;
	s5 =	simm.s32 @!p2 $0x0  }
0x1d: {  	s5 =	simm.s32 @p1 $0x1;
	p0 =	seq.s32 s7, s2  }
0x1e: {  	s7 =	smul.u32 @!p0 $0xF7A, s2;
	p2 =	seq.s32 @!p0 s5, $0x0  }
0x1f: {  	s9 =	smul.u32 $0xF7A, s1;
	s8 =	simm.s32 @!p0 $0x1BF5;
	p2 =	por !p2, p0  }
0x20: {  	[sflag:s8] =	ssyncset.s32 @!p0 $0xFFFFF086;
	s6 =	sadd.s32 @!p0 s3, s7;
	s7 =	simm.s32 @!p0 $0x108  }
0x21: {  	s3 =	sadd.s32 s3, s9;
	s6 =	sadd.s32 @!p0 $0x88, s6;
	s7 =	simm.s32 @p2 $0x1082  }
0x22: {  	[simem:s7], [sflag:s8] =	dma.local @!p0 [hbm:s6], $0xF7A  }
0x23: {  	s9 =	sor.u32 $0xD0000000, s2;
	s6 =	simm.s32 $0x108;
	_ =	swait.ge @!p0 [sflag:s8], $0x0  }
0x24: {  	s3 =	sadd.s32 $0x88, s3;
	s6 =	simm.s32 @!p1 $0x1082;
	[sflag:s4] =	ssyncset.s32 $0xFFFFF086  }
0x25: {  	[simem:s6], [sflag:s4] =	dma.local [hbm:s3], $0xF7A  }
0x26: {  	[smem:$0x3F9F] =	sst s1;
	(tag) =	ssettag s2;
	_ =	strace s9  }
0x27: {  	s1 =	sld [smem:$0x3FAF]  }
0x28: {  	s2 =	sld [smem:$0x3FB0]  }
0x29: {  	s4 =	sld [smem:$0x3FB2]  }
0x2a: {  	p0 =	seq.s32 s5, $0x0;
	s5 =	sld [smem:$0x3FB3]  }
0x2b: {  	s6 =	sld [smem:$0x3FB4]  }
0x2c: {  	s7 =	sld [smem:$0x3FB5]  }
0x2d: {  	s3 =	simm.s32 $0x108;
	s8 =	sld [smem:$0x3FB6]  }
0x2e: {  	s3 =	simm.s32 @!p0 $0x1082;
	s9 =	sld [smem:$0x3FB7]  }
0x2f: {  	lr =	sadd.s32 s0, s3;
	s0 =	sld [smem:$0x3FAE]  }
0x30: {  	s3 =	sld [smem:$0x3FB1]  }
0x31: {  	[smem:$0x3FBA] =	sst s10  }
0x32: {  	s10 =	sld [smem:$0x3FB8];
	_ =	sdelay $0x3  }
0x33: {  	p0 =	seq.s32 s10, $0x1;
	s10 =	sld [smem:$0x3FBA];
	_ =	sdelay $0x3  }
0x34: {  	[smem:$0x3FBA] =	sst s10  }
0x35: {  	s10 =	sld [smem:$0x3FB9];
	_ =	sdelay $0x3  }
0x36: {  	p1 =	seq.s32 s10, $0x1;
	s10 =	sld [smem:$0x3FBA];
	_ =	sdelay $0x3  }
0x37: {  	[smem:$0x3FBA] =	sst s10  }
0x38: {  	s10 =	sld [smem:$0x3FBB]  }
0x39: {  	_ = 	snop;
	(pc) =	sbr.ind lr, $3  }
0x3a: {  	_ = 	snop  }
0x3b: {  	_ = 	snop  }
0x3c: {  	p2 =	seq.s32 s10, $0x1;
	s10 =	sld [smem:$0x3FBA]  }
0x3d: {  	_ =	shalt  }
0x3e: {  	_ =	shalt  }
0x3f: {  	_ =	shalt  }
0x40: {  	_ =	shalt  }
0x41: {  	_ =	shalt  }
0x42: {  	_ =	shalt  }
0x43: {  	_ =	shalt  }
0x44: {  	_ =	shalt  }
0x45: {  	_ =	shalt  }
0x46: {  	_ =	shalt  }
0x47: {  	_ =	shalt  }
0x48: {  	_ =	shalt  }
0x49: {  	_ =	shalt  }
0x4a: {  	_ =	shalt  }
0x4b: {  	_ =	shalt  }
0x4c: {  	_ =	shalt  }
0x4d: {  	_ =	shalt  }
0x4e: {  	_ =	shalt  }
0x4f: {  	_ =	shalt  }
0x50: {  	_ =	shalt  }
0x51: {  	_ =	shalt  }
0x52: {  	_ =	shalt  }
0x53: {  	_ =	shalt  }
0x54: {  	_ =	shalt  }
0x55: {  	_ =	shalt  }
0x56: {  	_ =	shalt  }
0x57: {  	_ =	shalt  }
0x58: {  	_ =	shalt  }
0x59: {  	_ =	shalt  }
0x5a: {  	_ =	shalt  }
0x5b: {  	_ =	shalt  }
0x5c: {  	_ =	shalt  }
0x5d: {  	_ =	shalt  }
0x5e: {  	_ =	shalt  }
0x5f: {  	_ =	shalt  }
0x60: {  	_ =	shalt  }
0x61: {  	_ =	shalt  }
0x62: {  	_ =	shalt  }
0x63: {  	_ =	shalt  }
0x64: {  	_ =	shalt  }
0x65: {  	_ =	shalt  }
0x66: {  	_ =	shalt  }
0x67: {  	_ =	shalt  }
0x68: {  	_ =	shalt  }
0x69: {  	_ =	shalt  }
0x6a: {  	_ =	shalt  }
0x6b: {  	_ =	shalt  }
0x6c: {  	_ =	shalt  }
0x6d: {  	_ =	shalt  }
0x6e: {  	_ =	shalt  }
0x6f: {  	_ =	shalt  }
0x70: {  	_ =	shalt  }
0x71: {  	_ =	shalt  }
0x72: {  	_ =	shalt  }
0x73: {  	_ =	shalt  }
0x74: {  	_ =	shalt  }
0x75: {  	_ =	shalt  }
0x76: {  	_ =	shalt  }
0x77: {  	_ =	shalt  }
0x78: {  	_ =	shalt  }
0x79: {  	_ =	shalt  }
0x7a: {  	_ =	shalt  }
0x7b: {  	_ =	shalt  }
0x7c: {  	_ =	shalt  }
0x7d: {  	_ =	shalt  }
0x7e: {  	_ =	shalt  }
0x7f: {  	_ =	shalt  }
0x80: {  	_ =	shalt  }
0x81: {  	_ =	shalt  }
0x82: {  	_ =	shalt  }
0x83: {  	_ =	shalt  }
0x84: {  	_ =	shalt  }
0x85: {  	_ =	shalt  }
0x86: {  	_ =	shalt  }
0x87: {  	_ =	shalt  }
.Lfunc_end0:
.L_simem_size_0:
called_computation_lowered:
.L_overlay_start_0:
0x88: {  	s2 =	sld [smem:$0x3FD9]  }
0x89: {  	s3 =	sld [smem:$0x3FFE];
	_ =	sdelay $0x1  }
0x8a: {  	s1 =	srdreg.scid  }
0x8b: {  	s0 =	sand.u32 $0x1, s1  }
0x8c: {  	s18 =	sshll.u32 s0, $0xA;
	s2 =	sadd.s32 s3, s2  }
0x8d: {  	s2 =	sadd.s32 s2, s18  }
0x8e: {  	[smem:$0x3FC6] =	sst s2  }
0x8f: {  	_ = 	snop  }
0x90: {  	s2 =	sld [smem:$0x3FC9]  }
0x91: {  	s19 =	sld [smem:$0x3FC8]  }
0x92: {  	s4 =	sld [smem:$0x3FD0];
	(tm) =	ssettm $0x1  }
0x93: {  	s5 =	sld [smem:$0x3FFB];
	_ =	sdelay $0x3  }
0x94: {  	_ =	strace s5  }
0x95: {  	s5 =	sld [smem:$0x3FFC];
	_ =	sdelay $0x3  }
0x96: {  	_ =	strace s5  }
0x97: {  	s5 =	sld [smem:$0x3FFD];
	_ =	sdelay $0x3  }
0x98: {  	_ =	strace s5  }
0x99: {  	_ =	strace $0x8FFFFFFF  }
0x9a: {  	s20 =	sld [smem:$0x3FDB];
	_ =	sdelay $0x1  }
0x9b: {  	s6 =	simm.s32 $_scs_section_size  }
0x9c: {  	s7 =	simm.s32 $_size__tile_overlayer_lowered;
	s8 =	simm.s32 $_tile_overlayer_lowered  }
0x9d: {  	s23 =	simm.s32 $0x1BFF;
	s22 =	sshll.u32 s8, $0x1;
	s5 =	sadd.s32 s6, s20  }
0x9e: {  	s9 =	simm.s32 $0x0;
	s21 =	sshll.u32 s7, $0x1;
	s7 =	sadd.s32 s22, s5  }
0x9f: {  	[timem:s9], [sflag:s23] =	dma.local [hbm:s7], s21  }
0xa0: {  	_ =	swait.ge [sflag:s23], s21  }
0xa1: {  	s6 =	ssub.s32 $0x0, s21;
	[sflag:s23] =	ssyncset.done $0x0  }
0xa2: {  	[sflag:s23] =	ssyncadd.s32 s6;
	_ =	sdelay $0x1  }
0xa3: {  	s24 =	simm.s32 $0x1B8B  }
0xa4: {  	_ =	swait.ge [sflag:s24], $0x1  }
0xa5: {  	[sflag:s24] =	ssyncset.done $0x0  }
0xa6: {  	s25 =	simm.s32 $0x1B8E;
	[sflag:s24] =	ssyncadd.s32 $0xFFFFFFFF  }
0xa7: {  	s26 =	simm.s32 $execute0_lowered;
	[smem:$0x3FD2] =	sst s25  }
0xa8: {  	s6 =	sshll.u32 s26, $0x1;
	_ =	strace $0x80000046;
	[dreg:$0x1] =	wrdreg $0xFFFFFFFF  }
0xa9: {  	s28 =	simm.s32 $_size_execute0_lowered;
	s5 =	sadd.s32 s5, s6;
	[dreg:$0x0] =	wrdreg $0x0  }
0xaa: {  	s6 =	sshll.u32 s28, $0x1;
	[dreg:$0x2] =	wrdreg s5  }
0xab: {  	[dreg:$0x3] =	wrdreg s6  }
0xac: {  	[dreg:$0x4] =	wrdreg $0xC0  }
0xad: {  	_ =	task [dreg:s9], $0x5FFFF  }
0xae: {  	[dreg:$0x1] =	wrdreg $0xFFFFFFFF  }
0xaf: {  	[dreg:$0x0] =	wrdreg $0x60  }
0xb0: {  	[dreg:$0x2] =	wrdreg s2  }
0xb1: {  	[dreg:$0x3] =	wrdreg s19  }
0xb2: {  	[dreg:$0x4] =	wrdreg s4  }
0xb3: {  	[dreg:$0x5] =	wrdreg $0x9  }
0xb4: {  	_ =	task.clear_ibuf [dreg:s9], $0x6FFFF;
	_ =	strace $0x90000046  }
0xb5: {  	s29 =	simm.s32 $0x9;
	_ =	strace $0x80000048  }
0xb6: {  	_ =	swait.ge [sflag:s29], $0x1  }
0xb7: {  	[sflag:s29] =	ssyncadd.s32 $0xFFFFFFFF  }
0xb8: {  	_ =	strace $0x90000048  }
0xb9: {  	_ =	sfence  }
0xba: {  	s30 =	sld [smem:$0x0];
	_ =	sdelay $0x2  }
0xbb: {  	s31 =	sshll.u32 s1, $0xD;
	s1 =	sshrl.u32 s1, $0x2  }
0xbc: {  	s3 =	sand.u32 $0x4000, s31;
	s1 =	sadd.s32 s1, s30  }
0xbd: {  	s0 =	sor.u32 s3, s0;
	s1 =	sshll.u32 s1, $0x11  }
0xbe: {  	s0 =	sor.u32 s1, s0  }
0xbf: {  	s0 =	sadd.s32 $0x8F2B, s0  }
0xc0: {  	[sflag:s0] =	ssyncadd.remote.s32 $0x1  }
0xc1: {  	_ =	sfence.sel $0xFFFF  }
0xc2: {  	[dreg:$0x0] =	wrdreg $0xFFFFFFFF;
	(pc) =	sbr.abs _section_cstart, $3  }
0xc3: {  	[dreg:$0x1] =	wrdreg $0xFFFFFFFF  }
0xc4: {  	_ =	task.clear_ibuf [dreg:s9], $0x2FFFF;
	_ =	strace $0x9FFFFFFF  }
0xc5: {  	(tm) =	ssettm $0x7FFFFFFF  }
tec
execute0_lowered:
.L_overlay_start_1:
0x0: {  	(tag) =	ssettag $0x1  }
0x1: {  	s0 =	rddreg [dreg:$0x0]  }
0x2: {  	s1 =	rddreg [dreg:$0x1]  }
0x3: {  	s2 =	srdreg.scid;
	s10 =	rddreg [dreg:$0x2];
	s3 =	simm.s32 $0x0  }
0x4: {  	s8 =	stileid.u32;
	s22 =	simm.s32 $0xD800;
	s23 =	simm.s32 $0xE000  }
0x5: {  	s24 =	simm.s32 $0xE800;
	s26 =	simm.s32 $0xF000;
	[smem:$0x7FF] =	sst s3  }
0x6: {  	s11 =	simm.s32 $0x11800;
	_ =	strace $0x80000047;
	[dreg:$0x6] =	wrdreg s22  }
0x7: {  	s13 =	simm.s32 $0x12000;
	s14 =	simm.s32 $0x12800;
	[dreg:$0x7] =	wrdreg s23  }
0x8: {  	s15 =	simm.s32 $0x13000;
	s17 =	simm.s32 $0x13800;
	[dreg:$0x8] =	wrdreg s24  }
0x9: {  	s31 =	simm.s32 $0xD000;
	s28 =	simm.s32 $0x7000;
	[dreg:$0x9] =	wrdreg s26  }
0xa: {  	s29 =	simm.s32 $0x7800;
	s30 =	simm.s32 $0x8000;
	[dreg:$0xd] =	wrdreg s11  }
0xb: {  	s2 =	sand.u32 $0x1, s2;
	s18 =	sshll.u32 s8, $0x1;
	[dreg:$0xe] =	wrdreg s13  }
0xc: {  	s6 =	sshll.u32 s8, $0x16;
	s8 =	sshll.u32 s8, $0x13;
	[dreg:$0xf] =	wrdreg s14  }
0xd: {  	s4 =	ssub.s32 $0x2, s2;
	s7 =	sshll.u32 s2, $0x15;
	[dreg:$0x10] =	wrdreg s15  }
0xe: {  	s9 =	sshll.u32 s2, $0x12;
	s2 =	sor.u32 s2, s18;
	[dreg:$0x11] =	wrdreg s17  }
0xf: {  	s18 =	simm.s32 $0x14000;
	s11 =	simm.s32 $0x3000;
	s13 =	simm.s32 $0x3800  }
0x10: {  	s22 =	simm.s32 $0x16800;
	s14 =	simm.s32 $0x4000;
	s23 =	simm.s32 $0x17000  }
0x11: {  	s15 =	simm.s32 $0x4800;
	s24 =	simm.s32 $0x17800;
	s17 =	simm.s32 $0x5800  }
0x12: {  	s26 =	simm.s32 $0x18800;
	s5 =	sshrl.u32 s4, $0x1;
	[dreg:$0x12] =	wrdreg s18  }
0x13: {  	s6 =	sor.u32 s7, s6;
	s19 =	sor.u32 s9, s8;
	[dreg:$0x16] =	wrdreg s22  }
0x14: {  	s20 =	sshll.u32 s2, $0x9;
	s7 =	simm.s32 $0xF800;
	[dreg:$0x17] =	wrdreg s23  }
0x15: {  	s8 =	simm.s32 $0x10000;
	[dreg:$0x18] =	wrdreg s24;
	s18 =	simm.s32 $0x6000  }
0x16: {  	[dreg:$0x1a] =	wrdreg s26;
	s22 =	simm.s32 $0x7800;
	s23 =	simm.s32 $0x8000  }
0x17: {  	s24 =	simm.s32 $0x8800;
	s26 =	simm.s32 $0x6800;
	[dreg:$0x4] =	wrdreg s19  }
0x18: {  	s4 =	ssub.s32 s4, s5;
	s6 =	sor.u32 $0x8000, s6;
	[dreg:$0xa] =	wrdreg s7  }
0x19: {  	s0 =	sadd.s32 s0, s20;
	[dreg:$0xb] =	wrdreg s8;
	s19 =	simm.s32 $0x14800  }
0x1a: {  	s20 =	simm.s32 $0x15800;
	s8 =	simm.s32 $0x0;
	[dreg:$0x1b] =	wrdreg s0  }
0x1b: {  	s21 =	sshrl.u32 s6, $0x3;
	s6 =	sshll.u32 s2, $0x1;
	[dreg:$0x13] =	wrdreg s19  }
0x1c: {  	s2 =	sshll.u32 s2, $0x12;
	s12 =	smax.u32 s4, $0x1;
	[dreg:$0x14] =	wrdreg s20  }
0x1d: {  	s19 =	simm.s32 $0x6800;
	s20 =	simm.s32 $0x7000;
	s0 =	simm.s32 $0x11000  }
0x1e: {  	s4 =	simm.s32 $0x15000;
	[dreg:$0x5] =	wrdreg s21;
	s25 =	sand.u32 $0xC0000, s2  }
0x1f: {  	s2 =	sadd.s32 s2, s10;
	s10 =	simm.s32 $0x10800;
	[dreg:$0x1f] =	wrdreg s12  }
0x20: {  	s12 =	simm.s32 $0x1000;
	s21 =	simm.s32 $0x16000;
	[dreg:$0xc] =	wrdreg s10  }
0x21: {  	s5 =	sadd.s32 s1, s25;
	s9 =	sadd.s32 $0x3F000, s2;
	[dreg:$0x15] =	wrdreg s21  }
0x22: {  	s2 =	sadd.s32 $0x3F800, s2;
	s10 =	simm.s32 $0x2800;
	[dreg:$0x1d] =	wrdreg s9  }
0x23: {  	s21 =	simm.s32 $0x5000;
	s25 =	simm.s32 $0x18000;
	[dreg:$0x1e] =	wrdreg s2  }
0x24: {  	v2 =	vlaneseq.u32;
	[dreg:$0x1c] =	wrdreg s5;
	s16 =	sadd.s32 $0x100, s5;
	s9 =	simm.s32 $0x2000  }
0x25: {  	vm0 =	vmmov $0xffff;
	v1 =	vshrl.u32 v2, $0x3;
	[dreg:$0x19] =	wrdreg s25;
	s25 =	simm.s32 $0x9000;
	s2 =	simm.s32 $0x1  }
0x26: {  	v0 =	vand.u32 $0x7, v2;
	v2 =	vor.u32 $0x8, v2;
	v1 =	vmul.u32 $0x8, v1;
	s5 =	simm.s32 $0x2;
	[smem:$0x7FD] =	sst s16;
	s16 =	simm.s32 $0x1800  }
.LBB2_1:
0x27: {  	[smem:$0x7FC] =	sst s8  }
0x28: {  	s7 =	rddreg [dreg:$0x1b];
	s8 =	simm.s32 $0x3  }
0x29: {  	[tilespmem:s3], [sflag:$0x3] =	stream.linear.gather [hbm4b:s7+s3], $0x1000, $0x38;
	[tilespmem:$0x19000] =	vst v63  }
0x2a: {  	_ =	swait.ge [sflag:s8], $0x1000  }
0x2b: {  	[sflag:s8] =	ssyncset.done $0x0  }
0x2c: {  	[sflag:s8] =	ssyncadd.s32 $0xFFFFF000  }
0x2d: {  	v3 =	vld [tilespmem:$0x0];
	_ =	sdelay $0x4  }
0x2e: {  	v4 =	vshll.u32 v3, $0x2  }
0x2f: {  	v3 =	vand.u32 $0x7, v3;
	v4 =	vand.u32 $0xFFFFFFE0, v4  }
0x30: {  	v3 =	vor.u32 v3, v4  }
0x31: {  	v4 =	vperm.xlane v3, v0;
	_ =	sdelay $0x1  }
0x32: {  	v4 =	vadd.s32 v1, v4;
	_ =	sdelay $0x1  }
0x33: {  	v3 =	vperm.xlane v3, v2  }
0x34: {  	s7 =	rddreg [dreg:$0x1c]  }
0x35: {  	s8 =	sld [smem:$0x7FD];
	v3 =	vadd.s32 v1, v3  }
0x36: {  	[tilespmem:s12], [sflag:$0x1] =	stream.indirect_vreg.gather [hbm4b:s7+s3], $0x80, v4, vm0, $0xb8;
	[tilespmem:$0x19000] =	vst v63  }
0x37: {  	_ = 	snop  }
0x38: {  	[tilespmem:s16], [sflag:$0x1] =	stream.indirect_vreg.gather [hbm4b:s8+s3], $0x80, v4, vm0, $0xb8;
	[tilespmem:$0x19000] =	vst v63  }
0x39: {  	_ = 	snop  }
0x3a: {  	[tilespmem:s9], [sflag:$0x1] =	stream.indirect_vreg.gather [hbm4b:s7+s3], $0x80, v3, vm0, $0xb8;
	[tilespmem:$0x19000] =	vst v63  }
0x3b: {  	_ = 	snop  }
0x3c: {  	[tilespmem:s10], [sflag:$0x1] =	stream.indirect_vreg.gather [hbm4b:s8+s3], $0x80, v3, vm0, $0xb8;
	[tilespmem:$0x19000] =	vst v63  }
0x3d: {  	v3 =	vld [tilespmem:$0x10];
	_ =	sdelay $0x4  }
0x3e: {  	v59 =	vshll.u32 v3, $0x2  }
0x3f: {  	v3 =	vand.u32 $0x7, v3;
	v4 =	vand.u32 $0xFFFFFFE0, v59  }
0x40: {  	v3 =	vor.u32 v3, v4  }
0x41: {  	v4 =	vperm.xlane v3, v0;
	_ =	sdelay $0x1  }
0x42: {  	v4 =	vadd.s32 v1, v4;
	_ =	sdelay $0x1  }
0x43: {  	v3 =	vperm.xlane v3, v2;
	_ =	sdelay $0x1  }
0x44: {  	v3 =	vadd.s32 v1, v3  }
0x45: {  	[tilespmem:s11], [sflag:$0x1] =	stream.indirect_vreg.gather [hbm4b:s7+s3], $0x80, v4, vm0, $0xb8;
	[tilespmem:$0x19000] =	vst v63  }
0x46: {  	_ = 	snop  }
0x47: {  	[tilespmem:s13], [sflag:$0x1] =	stream.indirect_vreg.gather [hbm4b:s8+s3], $0x80, v4, vm0, $0xb8;
	[tilespmem:$0x19000] =	vst v63  }
0x48: {  	_ = 	snop  }
0x49: {  	[tilespmem:s14], [sflag:$0x1] =	stream.indirect_vreg.gather [hbm4b:s7+s3], $0x80, v3, vm0, $0xb8;
	[tilespmem:$0x19000] =	vst v63  }
0x4a: {  	_ = 	snop  }
0x4b: {  	[tilespmem:s15], [sflag:$0x1] =	stream.indirect_vreg.gather [hbm4b:s8+s3], $0x80, v3, vm0, $0xb8;
	[tilespmem:$0x19000] =	vst v63  }
0x4c: {  	v3 =	vld [tilespmem:$0x20];
	_ =	sdelay $0x4  }
0x4d: {  	v60 =	vshll.u32 v3, $0x2  }
0x4e: {  	v3 =	vand.u32 $0x7, v3;
	v4 =	vand.u32 $0xFFFFFFE0, v60  }
0x4f: {  	v3 =	vor.u32 v3, v4  }
0x50: {  	v4 =	vperm.xlane v3, v0;
	_ =	sdelay $0x1  }
0x51: {  	v4 =	vadd.s32 v1, v4;
	_ =	sdelay $0x1  }
0x52: {  	v3 =	vperm.xlane v3, v2;
	_ =	sdelay $0x1  }
0x53: {  	v3 =	vadd.s32 v1, v3  }
0x54: {  	[tilespmem:s21], [sflag:$0x1] =	stream.indirect_vreg.gather [hbm4b:s7+s3], $0x80, v4, vm0, $0xb8;
	[tilespmem:$0x19000] =	vst v63  }
0x55: {  	_ = 	snop  }
0x56: {  	[tilespmem:s17], [sflag:$0x1] =	stream.indirect_vreg.gather [hbm4b:s8+s3], $0x80, v4, vm0, $0xb8;
	[tilespmem:$0x19000] =	vst v63  }
0x57: {  	_ = 	snop  }
0x58: {  	[tilespmem:s18], [sflag:$0x1] =	stream.indirect_vreg.gather [hbm4b:s7+s3], $0x80, v3, vm0, $0xb8;
	[tilespmem:$0x19000] =	vst v63  }
0x59: {  	_ = 	snop  }
0x5a: {  	[tilespmem:s19], [sflag:$0x1] =	stream.indirect_vreg.gather [hbm4b:s8+s3], $0x80, v3, vm0, $0xb8;
	[tilespmem:$0x19000] =	vst v63  }
0x5b: {  	v3 =	vld [tilespmem:$0x30];
	_ =	sdelay $0x4  }
0x5c: {  	v61 =	vshll.u32 v3, $0x2  }
0x5d: {  	v3 =	vand.u32 $0x7, v3;
	v4 =	vand.u32 $0xFFFFFFE0, v61  }
0x5e: {  	v3 =	vor.u32 v3, v4  }
0x5f: {  	v4 =	vperm.xlane v3, v0;
	_ =	sdelay $0x1  }
0x60: {  	v4 =	vadd.s32 v1, v4;
	_ =	sdelay $0x1  }
0x61: {  	v3 =	vperm.xlane v3, v2;
	_ =	sdelay $0x1  }
0x62: {  	v3 =	vadd.s32 v1, v3  }
0x63: {  	[tilespmem:s20], [sflag:$0x1] =	stream.indirect_vreg.gather [hbm4b:s7+s3], $0x80, v4, vm0, $0xb8;
	[tilespmem:$0x19000] =	vst v63  }
0x64: {  	_ = 	snop  }
0x65: {  	[tilespmem:s22], [sflag:$0x1] =	stream.indirect_vreg.gather [hbm4b:s8+s3], $0x80, v4, vm0, $0xb8;
	[tilespmem:$0x19000] =	vst v63  }
0x66: {  	_ = 	snop  }
0x67: {  	[tilespmem:s23], [sflag:$0x1] =	stream.indirect_vreg.gather [hbm4b:s7+s3], $0x80, v3, vm0, $0xb8;
	[tilespmem:$0x19000] =	vst v63  }
0x68: {  	_ = 	snop  }
0x69: {  	[tilespmem:s24], [sflag:$0x1] =	stream.indirect_vreg.gather [hbm4b:s8+s3], $0x80, v3, vm0, $0xb8;
	[tilespmem:$0x19000] =	vst v63  }
0x6a: {  	v3 =	vld [tilespmem:$0x40];
	_ =	sdelay $0x4  }
0x6b: {  	v62 =	vshll.u32 v3, $0x2  }
0x6c: {  	v3 =	vand.u32 $0x7, v3;
	v4 =	vand.u32 $0xFFFFFFE0, v62  }
0x6d: {  	v3 =	vor.u32 v3, v4  }
0x6e: {  	v4 =	vperm.xlane v3, v0;
	_ =	sdelay $0x1  }
0x6f: {  	v4 =	vadd.s32 v1, v4;
	_ =	sdelay $0x1  }
0x70: {  	v3 =	vperm.xlane v3, v2;
	_ =	sdelay $0x1  }
0x71: {  	v3 =	vadd.s32 v1, v3  }
0x72: {  	[tilespmem:s25], [sflag:$0x1] =	stream.indirect_vreg.gather [hbm4b:s7+s3], $0x80, v4, vm0, $0xb8;
	[tilespmem:$0x19000] =	vst v63  }
0x73: {  	s18 =	simm.s32 $0x9800  }
0x74: {  	[tilespmem:s18], [sflag:$0x1] =	stream.indirect_vreg.gather [hbm4b:s8+s3], $0x80, v4, vm0, $0xb8;
	[tilespmem:$0x19000] =	vst v63  }
0x75: {  	s19 =	simm.s32 $0xA000  }
0x76: {  	[tilespmem:s19], [sflag:$0x1] =	stream.indirect_vreg.gather [hbm4b:s7+s3], $0x80, v3, vm0, $0xb8;
	[tilespmem:$0x19000] =	vst v63  }
0x77: {  	s20 =	simm.s32 $0xA800  }
0x78: {  	[tilespmem:s20], [sflag:$0x1] =	stream.indirect_vreg.gather [hbm4b:s8+s3], $0x80, v3, vm0, $0xb8;
	[tilespmem:$0x19000] =	vst v63  }
0x79: {  	v3 =	vld [tilespmem:$0x50];
	_ =	sdelay $0x4  }
0x7a: {  	v63 =	vshll.u32 v3, $0x2  }
0x7b: {  	v3 =	vand.u32 $0x7, v3;
	v4 =	vand.u32 $0xFFFFFFE0, v63  }
0x7c: {  	v3 =	vor.u32 v3, v4  }
0x7d: {  	v4 =	vperm.xlane v3, v0;
	_ =	sdelay $0x1  }
0x7e: {  	v4 =	vadd.s32 v1, v4;
	_ =	sdelay $0x1  }
0x7f: {  	v3 =	vperm.xlane v3, v2;
	_ =	sdelay $0x1  }
0x80: {  	s9 =	simm.s32 $0x8;
	s10 =	simm.s32 $0x90;
	s22 =	simm.s32 $0xB000;
	v3 =	vadd.s32 v1, v3  }
0x81: {  	[tilespmem:s22], [sflag:$0x1] =	stream.indirect_vreg.gather [hbm4b:s7+s3], $0x80, v4, vm0, $0xb8;
	[tilespmem:$0x19000] =	vst v63  }
0x82: {  	s11 =	rddreg [dreg:$0x2];
	s17 =	simm.s32 $0x9000;
	s23 =	simm.s32 $0xB800  }
0x83: {  	[tilespmem:s23], [sflag:$0x1] =	stream.indirect_vreg.gather [hbm4b:s8+s3], $0x80, v4, vm0, $0xb8;
	[tilespmem:$0x19000] =	vst v63  }
0x84: {  	s24 =	simm.s32 $0xC000;
	s25 =	simm.s32 $0xC800;
	s18 =	simm.s32 $0x2800  }
0x85: {  	[tilespmem:s24], [sflag:$0x1] =	stream.indirect_vreg.gather [hbm4b:s7+s3], $0x80, v3, vm0, $0xb8;
	[tilespmem:$0x19000] =	vst v63  }
0x86: {  	s19 =	simm.s32 $0x3000;
	s20 =	simm.s32 $0x3800;
	s22 =	simm.s32 $0x4000  }
0x87: {  	[tilespmem:s25], [sflag:$0x1] =	stream.indirect_vreg.gather [hbm4b:s8+s3], $0x80, v3, vm0, $0xb8;
	[tilespmem:$0x19000] =	vst v63  }
0x88: {  	s23 =	simm.s32 $0x4800;
	s24 =	simm.s32 $0x8800;
	s25 =	simm.s32 $0x6000  }
.LBB2_2:
0x89: {  	_ =	swait.ge [sflag:s2], $0x4000  }
0x8a: {  	p0 =	seq.s32 s9, $0x8;
	[sflag:s2] =	ssyncset.done $0x0  }
0x8b: {  	s7 =	simm.s32 @!p0 $0x2;
	[sflag:s2] =	ssyncadd.s32 $0xFFFFC000  }
0x8c: {  	_ =	swait.ge @!p0 [sflag:s7], $0x4000  }
0x8d: {  	[sflag:s7] =	ssyncset.done @!p0 $0x0  }
0x8e: {  	[sflag:s7] =	ssyncadd.s32 @!p0 $0xFFFFC000  }
0x8f: {  	v3 =	vld [tilespmem:s10+$0xFFFFFFD0];
	_ =	sdelay $0x4  }
0x90: {  	v4 =	vshll.u32 v3, $0x2  }
0x91: {  	v3 =	vand.u32 $0x7, v3;
	v4 =	vand.u32 $0xFFFFFFE0, v4  }
0x92: {  	v3 =	vor.u32 v3, v4  }
0x93: {  	v4 =	vperm.xlane v3, v0  }
0x94: {  	s8 =	sadd.s32 $0xFFFFFFFB, s9  }
0x95: {  	s8 =	sshrl.u32 s8, $0x6;
	v4 =	vadd.s32 v1, v4  }
0x96: {  	s8 =	sadd.s32 s6, s8  }
0x97: {  	s8 =	sshll.u32 s8, $0x11;
	v3 =	vperm.xlane v3, v2  }
0x98: {  	s8 =	sand.u32 $0xE0000, s8  }
0x99: {  	s8 =	sadd.s32 s1, s8;
	v3 =	vadd.s32 v1, v3  }
0x9a: {  	[tilespmem:s31], [sflag:$0x1] =	stream.indirect_vreg.gather [hbm4b:s8+s3], $0x80, v4, vm0, $0xb8;
	[tilespmem:$0x19000] =	vst v63  }
0x9b: {  	s13 =	rddreg [dreg:$0x6];
	s14 =	sadd.s32 $0x100, s8  }
0x9c: {  	[tilespmem:s13], [sflag:$0x1] =	stream.indirect_vreg.gather [hbm4b:s14+s3], $0x80, v4, vm0, $0xb8;
	[tilespmem:$0x19000] =	vst v63  }
0x9d: {  	s15 =	rddreg [dreg:$0x7]  }
0x9e: {  	[tilespmem:s15], [sflag:$0x1] =	stream.indirect_vreg.gather [hbm4b:s8+s3], $0x80, v3, vm0, $0xb8;
	[tilespmem:$0x19000] =	vst v63  }
0x9f: {  	s16 =	rddreg [dreg:$0x8]  }
0xa0: {  	[tilespmem:s16], [sflag:$0x1] =	stream.indirect_vreg.gather [hbm4b:s14+s3], $0x80, v3, vm0, $0xb8;
	[tilespmem:$0x19000] =	vst v63  }
0xa1: {  	v3 =	vld [tilespmem:s10+$0xFFFFFFE0];
	_ =	sdelay $0x4  }
0xa2: {  	v55 =	vshll.u32 v3, $0x2  }
0xa3: {  	v3 =	vand.u32 $0x7, v3;
	v4 =	vand.u32 $0xFFFFFFE0, v55  }
0xa4: {  	v3 =	vor.u32 v3, v4  }
0xa5: {  	v4 =	vperm.xlane v3, v0;
	_ =	sdelay $0x1  }
0xa6: {  	v4 =	vadd.s32 v1, v4;
	_ =	sdelay $0x1  }
0xa7: {  	v3 =	vperm.xlane v3, v2  }
0xa8: {  	s13 =	rddreg [dreg:$0xc]  }
0xa9: {  	s16 =	rddreg [dreg:$0x9];
	v3 =	vadd.s32 v1, v3  }
0xaa: {  	[tilespmem:s16], [sflag:$0x1] =	stream.indirect_vreg.gather [hbm4b:s8+s3], $0x80, v4, vm0, $0xb8;
	[tilespmem:$0x19000] =	vst v63  }
0xab: {  	s15 =	rddreg [dreg:$0xa]  }
0xac: {  	[tilespmem:s15], [sflag:$0x1] =	stream.indirect_vreg.gather [hbm4b:s14+s3], $0x80, v4, vm0, $0xb8;
	[tilespmem:$0x19000] =	vst v63  }
0xad: {  	s16 =	rddreg [dreg:$0xb]  }
0xae: {  	[tilespmem:s16], [sflag:$0x1] =	stream.indirect_vreg.gather [hbm4b:s8+s3], $0x80, v3, vm0, $0xb8;
	[tilespmem:$0x19000] =	vst v63  }
0xaf: {  	s15 =	rddreg [dreg:$0x4]  }
0xb0: {  	[tilespmem:s13], [sflag:$0x1] =	stream.indirect_vreg.gather [hbm4b:s14+s3], $0x80, v3, vm0, $0xb8;
	[tilespmem:$0x19000] =	vst v63  }
0xb1: {  	s8 =	sadd.s32 s11, s15  }
0xb2: {  	[hbm4b:s8+s3] =	stream.linear.scatter [tilespmem:s12], [sflag:$0x2], $0x4000, $0x38;
	[tilespmem:$0x19000] =	vst v63  }
0xb3: {  	_ =	swait.ge [sflag:s2], $0x4000  }
0xb4: {  	[sflag:s2] =	ssyncset.done $0x0  }
0xb5: {  	[sflag:s2] =	ssyncadd.s32 $0xFFFFC000  }
0xb6: {  	_ =	swait.ge @!p0 [sflag:s7], $0x4000  }
0xb7: {  	[sflag:s7] =	ssyncset.done @!p0 $0x0  }
0xb8: {  	[sflag:s7] =	ssyncadd.s32 @!p0 $0xFFFFC000  }
0xb9: {  	v3 =	vld [tilespmem:s10+$0xFFFFFFF0];
	_ =	sdelay $0x4  }
0xba: {  	v56 =	vshll.u32 v3, $0x2  }
0xbb: {  	v3 =	vand.u32 $0x7, v3;
	v4 =	vand.u32 $0xFFFFFFE0, v56  }
0xbc: {  	v3 =	vor.u32 v3, v4  }
0xbd: {  	v4 =	vperm.xlane v3, v0  }
0xbe: {  	s16 =	sadd.s32 $0xFFFFFFFC, s9  }
0xbf: {  	s13 =	sshrl.u32 s16, $0x6;
	v4 =	vadd.s32 v1, v4  }
0xc0: {  	s13 =	sadd.s32 s6, s13  }
0xc1: {  	s13 =	sshll.u32 s13, $0x11;
	v3 =	vperm.xlane v3, v2  }
0xc2: {  	s13 =	sand.u32 $0xE0000, s13  }
0xc3: {  	s13 =	sadd.s32 s1, s13;
	v3 =	vadd.s32 v1, v3  }
0xc4: {  	[tilespmem:s0], [sflag:$0x1] =	stream.indirect_vreg.gather [hbm4b:s13+s3], $0x80, v4, vm0, $0xb8;
	[tilespmem:$0x19000] =	vst v63  }
0xc5: {  	s15 =	sadd.s32 $0x100, s13;
	s14 =	rddreg [dreg:$0xd]  }
0xc6: {  	[tilespmem:s14], [sflag:$0x1] =	stream.indirect_vreg.gather [hbm4b:s15+s3], $0x80, v4, vm0, $0xb8;
	[tilespmem:$0x19000] =	vst v63  }
0xc7: {  	s16 =	rddreg [dreg:$0xe]  }
0xc8: {  	[tilespmem:s16], [sflag:$0x1] =	stream.indirect_vreg.gather [hbm4b:s13+s3], $0x80, v3, vm0, $0xb8;
	[tilespmem:$0x19000] =	vst v63  }
0xc9: {  	s14 =	rddreg [dreg:$0xf]  }
0xca: {  	[tilespmem:s14], [sflag:$0x1] =	stream.indirect_vreg.gather [hbm4b:s15+s3], $0x80, v3, vm0, $0xb8;
	[tilespmem:$0x19000] =	vst v63  }
0xcb: {  	v3 =	vld [tilespmem:s10+$0x0];
	_ =	sdelay $0x4  }
0xcc: {  	v57 =	vshll.u32 v3, $0x2  }
0xcd: {  	v3 =	vand.u32 $0x7, v3;
	v4 =	vand.u32 $0xFFFFFFE0, v57  }
0xce: {  	v3 =	vor.u32 v3, v4  }
0xcf: {  	v4 =	vperm.xlane v3, v0;
	_ =	sdelay $0x1  }
0xd0: {  	v4 =	vadd.s32 v1, v4;
	_ =	sdelay $0x1  }
0xd1: {  	v3 =	vperm.xlane v3, v2;
	_ =	sdelay $0x1  }
0xd2: {  	s14 =	rddreg [dreg:$0x10];
	v3 =	vadd.s32 v1, v3  }
0xd3: {  	[tilespmem:s14], [sflag:$0x1] =	stream.indirect_vreg.gather [hbm4b:s13+s3], $0x80, v4, vm0, $0xb8;
	[tilespmem:$0x19000] =	vst v63  }
0xd4: {  	s16 =	rddreg [dreg:$0x11]  }
0xd5: {  	[tilespmem:s16], [sflag:$0x1] =	stream.indirect_vreg.gather [hbm4b:s15+s3], $0x80, v4, vm0, $0xb8;
	[tilespmem:$0x19000] =	vst v63  }
0xd6: {  	s14 =	rddreg [dreg:$0x12]  }
0xd7: {  	[tilespmem:s14], [sflag:$0x1] =	stream.indirect_vreg.gather [hbm4b:s13+s3], $0x80, v3, vm0, $0xb8;
	[tilespmem:$0x19000] =	vst v63  }
0xd8: {  	s16 =	rddreg [dreg:$0x13]  }
0xd9: {  	[tilespmem:s16], [sflag:$0x1] =	stream.indirect_vreg.gather [hbm4b:s15+s3], $0x80, v3, vm0, $0xb8;
	[tilespmem:$0x19000] =	vst v63  }
0xda: {  	s14 =	sadd.s32 $0x800, s8  }
0xdb: {  	[hbm4b:s14+s3] =	stream.linear.scatter [tilespmem:s21], [sflag:$0x2], $0x4000, $0x38;
	[tilespmem:$0x19000] =	vst v63  }
0xdc: {  	_ =	swait.ge [sflag:s2], $0x4000  }
0xdd: {  	[sflag:s2] =	ssyncset.done $0x0  }
0xde: {  	[sflag:s2] =	ssyncadd.s32 $0xFFFFC000  }
0xdf: {  	_ =	swait.ge @!p0 [sflag:s7], $0x4000  }
0xe0: {  	[sflag:s7] =	ssyncset.done @!p0 $0x0  }
0xe1: {  	[sflag:s7] =	ssyncadd.s32 @!p0 $0xFFFFC000  }
0xe2: {  	v3 =	vld [tilespmem:s10+$0x10];
	_ =	sdelay $0x4  }
0xe3: {  	v58 =	vshll.u32 v3, $0x2  }
0xe4: {  	v3 =	vand.u32 $0x7, v3;
	v4 =	vand.u32 $0xFFFFFFE0, v58  }
0xe5: {  	v3 =	vor.u32 v3, v4  }
0xe6: {  	v4 =	vperm.xlane v3, v0  }
0xe7: {  	s15 =	sadd.s32 $0xFFFFFFFD, s9  }
0xe8: {  	s7 =	sshrl.u32 s15, $0x6;
	v4 =	vadd.s32 v1, v4  }
0xe9: {  	s7 =	sadd.s32 s6, s7  }
0xea: {  	s7 =	sshll.u32 s7, $0x11;
	v3 =	vperm.xlane v3, v2  }
0xeb: {  	s7 =	sand.u32 $0xE0000, s7  }
0xec: {  	s7 =	sadd.s32 s1, s7;
	v3 =	vadd.s32 v1, v3  }
0xed: {  	[tilespmem:s4], [sflag:$0x1] =	stream.indirect_vreg.gather [hbm4b:s7+s3], $0x80, v4, vm0, $0xb8;
	[tilespmem:$0x19000] =	vst v63  }
0xee: {  	s13 =	rddreg [dreg:$0x14];
	s14 =	sadd.s32 $0x100, s7  }
0xef: {  	[tilespmem:s13], [sflag:$0x1] =	stream.indirect_vreg.gather [hbm4b:s14+s3], $0x80, v4, vm0, $0xb8;
	[tilespmem:$0x19000] =	vst v63  }
0xf0: {  	s15 =	rddreg [dreg:$0x15]  }
0xf1: {  	[tilespmem:s15], [sflag:$0x1] =	stream.indirect_vreg.gather [hbm4b:s7+s3], $0x80, v3, vm0, $0xb8;
	[tilespmem:$0x19000] =	vst v63  }
0xf2: {  	s13 =	rddreg [dreg:$0x16]  }
0xf3: {  	[tilespmem:s13], [sflag:$0x1] =	stream.indirect_vreg.gather [hbm4b:s14+s3], $0x80, v3, vm0, $0xb8;
	[tilespmem:$0x19000] =	vst v63  }
0xf4: {  	v3 =	vld [tilespmem:s10+$0x20];
	_ =	sdelay $0x4  }
0xf5: {  	v59 =	vshll.u32 v3, $0x2  }
0xf6: {  	v3 =	vand.u32 $0x7, v3;
	v4 =	vand.u32 $0xFFFFFFE0, v59  }
0xf7: {  	v3 =	vor.u32 v3, v4  }
0xf8: {  	v4 =	vperm.xlane v3, v0;
	_ =	sdelay $0x1  }
0xf9: {  	v4 =	vadd.s32 v1, v4;
	_ =	sdelay $0x1  }
0xfa: {  	v3 =	vperm.xlane v3, v2  }
0xfb: {  	s15 =	rddreg [dreg:$0x18]  }
0xfc: {  	s13 =	rddreg [dreg:$0x17];
	v3 =	vadd.s32 v1, v3  }
0xfd: {  	[tilespmem:s13], [sflag:$0x1] =	stream.indirect_vreg.gather [hbm4b:s7+s3], $0x80, v4, vm0, $0xb8;
	[tilespmem:$0x19000] =	vst v63  }
0xfe: {  	s13 =	rddreg [dreg:$0x19]  }
0xff: {  	[tilespmem:s15], [sflag:$0x1] =	stream.indirect_vreg.gather [hbm4b:s14+s3], $0x80, v4, vm0, $0xb8;
	[tilespmem:$0x19000] =	vst v63  }
0x100: {  	s15 =	rddreg [dreg:$0x5]  }
0x101: {  	[tilespmem:s13], [sflag:$0x1] =	stream.indirect_vreg.gather [hbm4b:s7+s3], $0x80, v3, vm0, $0xb8;
	[tilespmem:$0x19000] =	vst v63  }
0x102: {  	s13 =	rddreg [dreg:$0x1a]  }
0x103: {  	[tilespmem:s13], [sflag:$0x1] =	stream.indirect_vreg.gather [hbm4b:s14+s3], $0x80, v3, vm0, $0xb8;
	[tilespmem:$0x19000] =	vst v63  }
0x104: {  	s13 =	sadd.s32 s11, s15  }
0x105: {  	[hbm4b:s13+s3] =	stream.linear.scatter [tilespmem:s17], [sflag:$0x2], $0x4000, $0x38;
	[tilespmem:$0x19000] =	vst v63  }
0x106: {  	_ =	swait.ge [sflag:s2], $0x4000  }
0x107: {  	[sflag:s2] =	ssyncset.done $0x0  }
0x108: {  	[sflag:s2] =	ssyncadd.s32 $0xFFFFC000  }
0x109: {  	_ =	swait.ge [sflag:s5], $0x4000  }
0x10a: {  	[sflag:s5] =	ssyncset.done $0x0  }
0x10b: {  	[sflag:s5] =	ssyncadd.s32 $0xFFFFC000  }
0x10c: {  	v3 =	vld [tilespmem:s10+$0x30];
	_ =	sdelay $0x4  }
0x10d: {  	v60 =	vshll.u32 v3, $0x2  }
0x10e: {  	v3 =	vand.u32 $0x7, v3;
	v4 =	vand.u32 $0xFFFFFFE0, v60  }
0x10f: {  	v3 =	vor.u32 v3, v4  }
0x110: {  	v4 =	vperm.xlane v3, v0  }
0x111: {  	s14 =	sadd.s32 $0xFFFFFFFE, s9  }
0x112: {  	s7 =	sshrl.u32 s14, $0x6;
	v4 =	vadd.s32 v1, v4  }
0x113: {  	s7 =	sadd.s32 s6, s7  }
0x114: {  	s7 =	sshll.u32 s7, $0x11;
	v3 =	vperm.xlane v3, v2  }
0x115: {  	s7 =	sand.u32 $0xE0000, s7  }
0x116: {  	s7 =	sadd.s32 s1, s7;
	v3 =	vadd.s32 v1, v3  }
0x117: {  	[tilespmem:s12], [sflag:$0x1] =	stream.indirect_vreg.gather [hbm4b:s7+s3], $0x80, v4, vm0, $0xb8;
	[tilespmem:$0x19000] =	vst v63  }
0x118: {  	s16 =	simm.s32 $0x1800;
	s13 =	sadd.s32 $0x100, s7  }
0x119: {  	[tilespmem:s16], [sflag:$0x1] =	stream.indirect_vreg.gather [hbm4b:s13+s3], $0x80, v4, vm0, $0xb8;
	[tilespmem:$0x19000] =	vst v63  }
0x11a: {  	s15 =	simm.s32 $0x2000  }
0x11b: {  	[tilespmem:s15], [sflag:$0x1] =	stream.indirect_vreg.gather [hbm4b:s7+s3], $0x80, v3, vm0, $0xb8;
	[tilespmem:$0x19000] =	vst v63  }
0x11c: {  	_ = 	snop  }
0x11d: {  	[tilespmem:s18], [sflag:$0x1] =	stream.indirect_vreg.gather [hbm4b:s13+s3], $0x80, v3, vm0, $0xb8;
	[tilespmem:$0x19000] =	vst v63  }
0x11e: {  	v3 =	vld [tilespmem:s10+$0x40];
	_ =	sdelay $0x4  }
0x11f: {  	v61 =	vshll.u32 v3, $0x2  }
0x120: {  	v3 =	vand.u32 $0x7, v3;
	v4 =	vand.u32 $0xFFFFFFE0, v61  }
0x121: {  	v3 =	vor.u32 v3, v4  }
0x122: {  	v4 =	vperm.xlane v3, v0;
	_ =	sdelay $0x1  }
0x123: {  	v4 =	vadd.s32 v1, v4;
	_ =	sdelay $0x1  }
0x124: {  	v3 =	vperm.xlane v3, v2;
	_ =	sdelay $0x1  }
0x125: {  	v3 =	vadd.s32 v1, v3  }
0x126: {  	[tilespmem:s19], [sflag:$0x1] =	stream.indirect_vreg.gather [hbm4b:s7+s3], $0x80, v4, vm0, $0xb8;
	[tilespmem:$0x19000] =	vst v63  }
0x127: {  	_ = 	snop  }
0x128: {  	[tilespmem:s20], [sflag:$0x1] =	stream.indirect_vreg.gather [hbm4b:s13+s3], $0x80, v4, vm0, $0xb8;
	[tilespmem:$0x19000] =	vst v63  }
0x129: {  	_ = 	snop  }
0x12a: {  	[tilespmem:s22], [sflag:$0x1] =	stream.indirect_vreg.gather [hbm4b:s7+s3], $0x80, v3, vm0, $0xb8;
	[tilespmem:$0x19000] =	vst v63  }
0x12b: {  	_ = 	snop  }
0x12c: {  	[tilespmem:s23], [sflag:$0x1] =	stream.indirect_vreg.gather [hbm4b:s13+s3], $0x80, v3, vm0, $0xb8;
	[tilespmem:$0x19000] =	vst v63  }
0x12d: {  	s13 =	sadd.s32 $0x1800, s8  }
0x12e: {  	[hbm4b:s13+s3] =	stream.linear.scatter [tilespmem:s31], [sflag:$0x2], $0x4000, $0x38;
	[tilespmem:$0x19000] =	vst v63  }
0x12f: {  	_ =	swait.ge [sflag:s2], $0x4000  }
0x130: {  	[sflag:s2] =	ssyncset.done $0x0  }
0x131: {  	[sflag:s2] =	ssyncadd.s32 $0xFFFFC000  }
0x132: {  	_ =	swait.ge [sflag:s5], $0x4000  }
0x133: {  	[sflag:s5] =	ssyncset.done $0x0  }
0x134: {  	[sflag:s5] =	ssyncadd.s32 $0xFFFFC000  }
0x135: {  	v3 =	vld [tilespmem:s10+$0x50];
	_ =	sdelay $0x4  }
0x136: {  	v62 =	vshll.u32 v3, $0x2  }
0x137: {  	v3 =	vand.u32 $0x7, v3;
	v4 =	vand.u32 $0xFFFFFFE0, v62  }
0x138: {  	v3 =	vor.u32 v3, v4  }
0x139: {  	v4 =	vperm.xlane v3, v0  }
0x13a: {  	s14 =	sadd.s32 $0xFFFFFFFF, s9  }
0x13b: {  	s7 =	sshrl.u32 s14, $0x6;
	v4 =	vadd.s32 v1, v4  }
0x13c: {  	s7 =	sadd.s32 s6, s7  }
0x13d: {  	s7 =	sshll.u32 s7, $0x11;
	v3 =	vperm.xlane v3, v2  }
0x13e: {  	s7 =	sand.u32 $0xE0000, s7  }
0x13f: {  	s7 =	sadd.s32 s1, s7;
	v3 =	vadd.s32 v1, v3  }
0x140: {  	[tilespmem:s21], [sflag:$0x1] =	stream.indirect_vreg.gather [hbm4b:s7+s3], $0x80, v4, vm0, $0xb8;
	[tilespmem:$0x19000] =	vst v63  }
0x141: {  	s15 =	simm.s32 $0x5800;
	s13 =	sadd.s32 $0x100, s7  }
0x142: {  	[tilespmem:s15], [sflag:$0x1] =	stream.indirect_vreg.gather [hbm4b:s13+s3], $0x80, v4, vm0, $0xb8;
	[tilespmem:$0x19000] =	vst v63  }
0x143: {  	_ = 	snop  }
0x144: {  	[tilespmem:s25], [sflag:$0x1] =	stream.indirect_vreg.gather [hbm4b:s7+s3], $0x80, v3, vm0, $0xb8;
	[tilespmem:$0x19000] =	vst v63  }
0x145: {  	_ = 	snop  }
0x146: {  	[tilespmem:s26], [sflag:$0x1] =	stream.indirect_vreg.gather [hbm4b:s13+s3], $0x80, v3, vm0, $0xb8;
	[tilespmem:$0x19000] =	vst v63  }
0x147: {  	v3 =	vld [tilespmem:s10+$0x60];
	_ =	sdelay $0x4  }
0x148: {  	v63 =	vshll.u32 v3, $0x2  }
0x149: {  	v3 =	vand.u32 $0x7, v3;
	v4 =	vand.u32 $0xFFFFFFE0, v63  }
0x14a: {  	v3 =	vor.u32 v3, v4  }
0x14b: {  	v4 =	vperm.xlane v3, v0;
	_ =	sdelay $0x1  }
0x14c: {  	v4 =	vadd.s32 v1, v4;
	_ =	sdelay $0x1  }
0x14d: {  	v3 =	vperm.xlane v3, v2;
	_ =	sdelay $0x1  }
0x14e: {  	v3 =	vadd.s32 v1, v3  }
0x14f: {  	[tilespmem:s28], [sflag:$0x1] =	stream.indirect_vreg.gather [hbm4b:s7+s3], $0x80, v4, vm0, $0xb8;
	[tilespmem:$0x19000] =	vst v63  }
0x150: {  	_ = 	snop  }
0x151: {  	[tilespmem:s29], [sflag:$0x1] =	stream.indirect_vreg.gather [hbm4b:s13+s3], $0x80, v4, vm0, $0xb8;
	[tilespmem:$0x19000] =	vst v63  }
0x152: {  	_ = 	snop  }
0x153: {  	[tilespmem:s30], [sflag:$0x1] =	stream.indirect_vreg.gather [hbm4b:s7+s3], $0x80, v3, vm0, $0xb8;
	[tilespmem:$0x19000] =	vst v63  }
0x154: {  	_ = 	snop  }
0x155: {  	[tilespmem:s24], [sflag:$0x1] =	stream.indirect_vreg.gather [hbm4b:s13+s3], $0x80, v3, vm0, $0xb8;
	[tilespmem:$0x19000] =	vst v63  }
0x156: {  	s14 =	sadd.s32 $0x2000, s8  }
0x157: {  	[hbm4b:s14+s3] =	stream.linear.scatter [tilespmem:s0], [sflag:$0x2], $0x4000, $0x38;
	[tilespmem:$0x19000] =	vst v63  }
0x158: {  	_ =	swait.ge [sflag:s2], $0x4000  }
0x159: {  	[sflag:s2] =	ssyncset.done $0x0  }
0x15a: {  	[sflag:s2] =	ssyncadd.s32 $0xFFFFC000  }
0x15b: {  	_ =	swait.ge [sflag:s5], $0x4000  }
0x15c: {  	[sflag:s5] =	ssyncset.done $0x0  }
0x15d: {  	p0 =	seq.s32 s9, $0x80;
	[sflag:s5] =	ssyncadd.s32 $0xFFFFC000  }
0x15e: {  	v3 =	vld @!p0 [tilespmem:s10+$0x70];
	_ =	sdelay $0x4  }
0x15f: {  	v4 =	vshll.u32 @!p0 v3, $0x2  }
0x160: {  	v5 =	vlaneseq.u32 @!p0;
	v3 =	vand.u32 @!p0 $0x7, v3;
	v4 =	vand.u32 @!p0 $0xFFFFFFE0, v4  }
0x161: {  	v6 =	vshrl.u32 @!p0 v5, $0x3;
	v3 =	vor.u32 @!p0 v3, v4;
	v4 =	vand.u32 @!p0 $0x7, v5  }
0x162: {  	v6 =	vmul.u32 @!p0 $0x8, v6;
	v7 =	vperm.xlane @!p0 v3, v4;
	_ =	sdelay $0x1  }
0x163: {  	s7 =	sshrl.u32 @!p0 s9, $0x6;
	v7 =	vadd.s32 @!p0 v6, v7  }
0x164: {  	s7 =	sadd.s32 @!p0 s6, s7;
	v5 =	vor.u32 @!p0 $0x8, v5  }
0x165: {  	s7 =	sshll.u32 @!p0 s7, $0x11;
	v3 =	vperm.xlane @!p0 v3, v5  }
0x166: {  	s7 =	sand.u32 @!p0 $0xE0000, s7  }
0x167: {  	vm1 =	vmmov @!p0 $0xffff;
	s13 =	simm.s32 @!p0 $0x0;
	s7 =	sadd.s32 @!p0 s1, s7;
	s14 =	simm.s32 @!p0 $0x9000;
	v3 =	vadd.s32 @!p0 v6, v3  }
0x168: {  	[tilespmem:s14], [sflag:$0x1] =	stream.indirect_vreg.gather @!p0 [hbm4b:s7+s13], $0x80, v7, vm1, $0xb8;
	[tilespmem:$0x19000] =	vst v63  }
0x169: {  	s15 =	simm.s32 @!p0 $0x9800;
	s14 =	sadd.s32 @!p0 $0x100, s7  }
0x16a: {  	[tilespmem:s15], [sflag:$0x1] =	stream.indirect_vreg.gather @!p0 [hbm4b:s14+s13], $0x80, v7, vm1, $0xb8;
	[tilespmem:$0x19000] =	vst v63  }
0x16b: {  	s15 =	simm.s32 @!p0 $0xA000  }
0x16c: {  	[tilespmem:s15], [sflag:$0x1] =	stream.indirect_vreg.gather @!p0 [hbm4b:s7+s13], $0x80, v3, vm1, $0xb8;
	[tilespmem:$0x19000] =	vst v63  }
0x16d: {  	s15 =	simm.s32 @!p0 $0xA800  }
0x16e: {  	[tilespmem:s15], [sflag:$0x1] =	stream.indirect_vreg.gather @!p0 [hbm4b:s14+s13], $0x80, v3, vm1, $0xb8;
	[tilespmem:$0x19000] =	vst v63  }
0x16f: {  	v3 =	vld @!p0 [tilespmem:s10+$0x80];
	_ =	sdelay $0x4  }
0x170: {  	v7 =	vshll.u32 @!p0 v3, $0x2  }
0x171: {  	v3 =	vand.u32 @!p0 $0x7, v3;
	v7 =	vand.u32 @!p0 $0xFFFFFFE0, v7  }
0x172: {  	v3 =	vor.u32 @!p0 v3, v7  }
0x173: {  	v4 =	vperm.xlane @!p0 v3, v4;
	_ =	sdelay $0x1  }
0x174: {  	v4 =	vadd.s32 @!p0 v6, v4;
	_ =	sdelay $0x1  }
0x175: {  	v3 =	vperm.xlane @!p0 v3, v5;
	_ =	sdelay $0x1  }
0x176: {  	s15 =	simm.s32 @!p0 $0xB000;
	v3 =	vadd.s32 @!p0 v6, v3  }
0x177: {  	[tilespmem:s15], [sflag:$0x1] =	stream.indirect_vreg.gather @!p0 [hbm4b:s7+s13], $0x80, v4, vm1, $0xb8;
	[tilespmem:$0x19000] =	vst v63  }
0x178: {  	s15 =	simm.s32 @!p0 $0xB800  }
0x179: {  	[tilespmem:s15], [sflag:$0x1] =	stream.indirect_vreg.gather @!p0 [hbm4b:s14+s13], $0x80, v4, vm1, $0xb8;
	[tilespmem:$0x19000] =	vst v63  }
0x17a: {  	s15 =	simm.s32 @!p0 $0xC000  }
0x17b: {  	[tilespmem:s15], [sflag:$0x1] =	stream.indirect_vreg.gather @!p0 [hbm4b:s7+s13], $0x80, v3, vm1, $0xb8;
	[tilespmem:$0x19000] =	vst v63  }
0x17c: {  	s9 =	sadd.s32 $0x6, s9;
	s7 =	simm.s32 @!p0 $0xC800  }
0x17d: {  	[tilespmem:s7], [sflag:$0x1] =	stream.indirect_vreg.gather @!p0 [hbm4b:s14+s13], $0x80, v3, vm1, $0xb8;
	[tilespmem:$0x19000] =	vst v63  }
0x17e: {  	p0 =	sne.s32 s9, $0x86  }
.Ltmp0:
0x17f: {  	_ = 	snop;
	(pc) =	sbr.rel @p0 .LBB2_2-.Ltmp0, $3  }
0x180: {  	_ =	sdelay $0x1  }
0x181: {  	s11 =	sadd.s32 $0x3000, s11;
	s10 =	sadd.s32 $0xC0, s10;
	s15 =	sadd.s32 $0x2800, s8  }
0x182: {  	[hbm4b:s15+s3] =	stream.linear.scatter [tilespmem:s4], [sflag:$0x2], $0x4000, $0x38;
	[tilespmem:$0x19000] =	vst v63  }
0x183: {  	_ =	swait.ge [sflag:s2], $0x4000  }
0x184: {  	[sflag:s2] =	ssyncset.done $0x0  }
0x185: {  	[sflag:s2] =	ssyncadd.s32 $0xFFFFC000  }
0x186: {  	_ =	swait.ge [sflag:s5], $0x4000  }
0x187: {  	[sflag:s5] =	ssyncset.done $0x0  }
0x188: {  	s7 =	rddreg [dreg:$0x1d];
	[sflag:s5] =	ssyncadd.s32 $0xFFFFC000  }
0x189: {  	[hbm4b:s7+s3] =	stream.linear.scatter [tilespmem:s12], [sflag:$0x2], $0x4000, $0x38;
	[tilespmem:$0x19000] =	vst v63  }
0x18a: {  	_ =	swait.ge [sflag:s2], $0x4000  }
0x18b: {  	[sflag:s2] =	ssyncset.done $0x0  }
0x18c: {  	[sflag:s2] =	ssyncadd.s32 $0xFFFFC000  }
0x18d: {  	_ =	swait.ge [sflag:s5], $0x4000  }
0x18e: {  	[sflag:s5] =	ssyncset.done $0x0  }
0x18f: {  	s24 =	rddreg [dreg:$0x1e];
	[sflag:s5] =	ssyncadd.s32 $0xFFFFC000  }
0x190: {  	[hbm4b:s24+s3] =	stream.linear.scatter [tilespmem:s21], [sflag:$0x2], $0x4000, $0x38;
	[tilespmem:$0x19000] =	vst v63  }
0x191: {  	_ =	swait.ge [sflag:s5], $0x4000  }
0x192: {  	[sflag:s5] =	ssyncset.done $0x0  }
0x193: {  	[sflag:s5] =	ssyncadd.s32 $0xFFFFC000  }
0x194: {  	_ =	swait.ge [sflag:s5], $0x4000  }
0x195: {  	[sflag:s5] =	ssyncset.done $0x0  }
0x196: {  	[sflag:s5] =	ssyncadd.s32 $0xFFFFC000  }
0x197: {  	_ =	swait.ge [sflag:s5], $0x4000  }
0x198: {  	s8 =	sld [smem:$0x7FC];
	_ =	sdelay $0x2  }
0x199: {  	s25 =	rddreg [dreg:$0x1f];
	s8 =	sadd.s32 $0x1, s8  }
0x19a: {  	s9 =	simm.s32 $0x2000;
	s10 =	simm.s32 $0x2800;
	p0 =	sne.s32 s8, s25  }
.Ltmp1:
0x19b: {  	s11 =	simm.s32 $0x3000;
	s13 =	simm.s32 $0x3800;
	(pc) =	sbr.rel @p0 .LBB2_1-.Ltmp1, $4  }
0x19c: {  	s14 =	simm.s32 $0x4000;
	s15 =	simm.s32 $0x4800;
	s17 =	simm.s32 $0x5800  }
0x19d: {  	s18 =	simm.s32 $0x6000;
	s19 =	simm.s32 $0x6800;
	s20 =	simm.s32 $0x7000  }
0x19e: {  	s22 =	simm.s32 $0x7800;
	s23 =	simm.s32 $0x8000;
	[sflag:s5] =	ssyncset.done $0x0  }
0x19f: {  	s24 =	simm.s32 $0x8800;
	[sflag:s5] =	ssyncadd.s32 $0xFFFFC000;
	s25 =	simm.s32 $0x9000  }
0x1a0: {  	_ =	sfence.sel $0x180000  }
0x1a1: {  	[bflag:$0x0] =	sbarrier.arrive $0xFFFF  }
0x1a2: {  	_ =	strace $0x90000047  }
0x1a3: {  	s0 =	stileid.u32;
	[bflag:$0x2] =	sbarrier.arrive $0xFFFF  }
0x1a4: {  	p0 =	sne.s32 s0, $0x0;
	s0 =	rddreg [dreg:$0x3]  }
0x1a5: {  	s0 =	sadd.s32 @!p0 $0x100000, s0  }
0x1a6: {  	[sflag:s0] =	ssyncadd.tile.s32 @!p0 $0x1;
	_ =	shalt  }
.Lfunc_end2:
_tile_overlayer_lowered:
.L_overlay_start_2:
0x1a7: {  	(tag) =	ssettag $0x2  }
0x1a8: {  	s0 =	rddreg [dreg:$0x0];
	s2 =	stileid.u32  }
0x1a9: {  	s1 =	rddreg [dreg:$0x1];
	p0 =	sne.s32 s2, $0x0  }
0x1aa: {  	s3 =	rddreg [dreg:$0x2];
	[bflag:$0x3] =	sbarrier.arrive $0xFFFF;
	s2 =	simm.s32 @!p0 $0x1C03  }
0x1ab: {  	[timem:s3], [sflag:s2] =	dma.local @!p0 [hbm:s0], s1  }
0x1ac: {  	s0 =	simm.s32 @!p0 $0x3  }
0x1ad: {  	_ =	swait.ge @!p0 [sflag:s0], s1  }
0x1ae: {  	s1 =	ssub.s32 @!p0 $0x0, s1;
	[sflag:s0] =	ssyncset.done @!p0 $0x0  }
0x1af: {  	[sflag:s0] =	ssyncadd.s32 @!p0 s1  }
0x1b0: {  	[bflag:$0x3] =	sbarrier.arrive $0xFFFF  }
0x1b1: {  	_ =	shalt  }

</sc_bundles>
